<compile_context>
chip_gen: v7x
topology: tpu7x:2x2x1
jax: 0.10.2.dev20260603
libtpu: 0.0.44.dev20260713+nightly
codegen_flags: <defaults>
</compile_context>

<pallas_src>
import functools

import jax
import jax.numpy as jnp
from jax import lax
from jax.experimental import pallas as pl
from jax.experimental.pallas import tpu as pltpu
from jax.experimental.pallas import tpu_sc as plsc

N_NODES_P = 10240
CHUNK = 128
CHUNKS_PER_TILE = 80
TILES = 16
E_PAD = TILES * CHUNKS_PER_TILE * CHUNK
D_HALF = 128
ROWS_PER_TILE = N_NODES_P // TILES
NSLOT = 4


def _sc_kernel():
    mesh = plsc.VectorSubcoreMesh(core_axis_name="c", subcore_axis_name="s")

    @functools.partial(
        pl.kernel,
        mesh=mesh,
        out_type=jax.ShapeDtypeStruct((2, N_NODES_P, D_HALF), jnp.float32),
        scratch_types=[
            pltpu.VMEM((CHUNK, D_HALF), jnp.float32),
            pltpu.VMEM((CHUNK, D_HALF), jnp.float32),
            pltpu.VMEM((NSLOT, 2, CHUNK), jnp.int32),
            pltpu.VMEM_SHARED((N_NODES_P, D_HALF), jnp.float32),
            pltpu.SemaphoreType.DMA,
            pltpu.SemaphoreType.DMA,
            pltpu.SemaphoreType.DMA,
            pltpu.SemaphoreType.DMA,
            pltpu.SemaphoreType.DMA,
            pltpu.SemaphoreType.DMA,
        ],
    )
    def k(table_hbm, eidx_hbm, zeros_hbm, out_hbm,
          buf_a, buf_b, islots, acc,
          gsem_a, gsem_b, isem0, isem1, isem2, isem3):
        c = lax.axis_index("c")
        s = lax.axis_index("s")
        gbufs = (buf_a, buf_b)
        gsems = (gsem_a, gsem_b)
        isems = (isem0, isem1, isem2, isem3)

        pltpu.sync_copy(zeros_hbm, buf_a)
        for r in range(ROWS_PER_TILE // CHUNK):
            pltpu.sync_copy(buf_a, acc.at[pl.ds(s * ROWS_PER_TILE + r * CHUNK, CHUNK)])
        plsc.subcore_barrier()

        def issue_idx(j, sl):
            pltpu.async_copy(eidx_hbm.at[c, s, j], islots.at[sl], isems[sl])

        def wait_idx(j, sl):
            pltpu.make_async_copy(eidx_hbm.at[c, s, j], islots.at[sl],
                                  isems[sl]).wait()

        def issue_gather(sl, b):
            pltpu.async_copy(table_hbm.at[islots.at[sl, 0]], gbufs[b], gsems[b])

        def wait_gather(sl, b):
            pltpu.make_async_copy(table_hbm.at[islots.at[sl, 0]], gbufs[b],
                                  gsems[b]).wait()

        for t in range(NSLOT):
            issue_idx(t, t)
        wait_idx(0, 0)
        issue_gather(0, 0)
        wait_idx(1, 1)
        issue_gather(1, 1)

        @pl.loop(0, CHUNKS_PER_TILE, step=NSLOT)
        def _(j):
            for b in range(NSLOT):
                jj = j + b
                g = b % 2
                wait_gather(b, g)
                pltpu.sync_copy(gbufs[g], acc.at[islots.at[b, 1]], add=True)

                @pl.when(jj + NSLOT < CHUNKS_PER_TILE)
                def _():
                    issue_idx(jj + NSLOT, b)

                @pl.when(jj + 2 < CHUNKS_PER_TILE)
                def _():
                    wait_idx(jj + 2, (b + 2) % NSLOT)
                    issue_gather((b + 2) % NSLOT, g)

        plsc.subcore_barrier()

        pltpu.sync_copy(acc.at[pl.ds(s * ROWS_PER_TILE, ROWS_PER_TILE)],
                        out_hbm.at[c, pl.ds(s * ROWS_PER_TILE, ROWS_PER_TILE)])

    return k


_k = _sc_kernel()


@jax.jit
def kernel(jumped, edge_index):
    n_nodes, d = jumped.shape
    n_edges = edge_index.shape[1]

    table = jnp.concatenate([jumped[:, :D_HALF], jumped[:, D_HALF:]], axis=0)

    pad = E_PAD - n_edges
    src = jnp.concatenate([edge_index[0], jnp.zeros((pad,), jnp.int32)])
    dst = jnp.concatenate([edge_index[1], jnp.full((pad,), n_nodes, jnp.int32)])
    src_r = src.reshape(TILES, CHUNKS_PER_TILE, CHUNK)
    dst_r = dst.reshape(TILES, CHUNKS_PER_TILE, CHUNK)
    eidx = jnp.stack([
        jnp.stack([src_r, dst_r], axis=2),
        jnp.stack([src_r + n_nodes, dst_r], axis=2),
    ])
    zeros = jnp.zeros((CHUNK, D_HALF), jnp.float32)

    out = _k(table, eidx, zeros)
    return jnp.concatenate([out[0, :n_nodes], out[1, :n_nodes]], axis=1)

# --- scband reference (transcript-rebuilt; emitter-appended) ---
"""Pipeline reference for scband-concate-65111704207520 (READ-ONLY COPY).

The authoritative reference and input builder live on the scoring server;
editing this copy changes nothing except your own understanding.
"""

import jax, jax.numpy as jnp
import numpy as np

N_NODES = 10000
N_EDGES = 160000
D_FEAT = 256


def setup_inputs(seed: int = 0) -> dict:
    key = jax.random.key(seed)
    k1, k2 = jax.random.split(key)
    jumped = jax.random.normal(k1, (N_NODES, D_FEAT), dtype=jnp.float32)
    edge_index = jax.random.randint(k2, (2, N_EDGES), 0, N_NODES, dtype=jnp.int32)
    return {"jumped": jumped, "edge_index": edge_index}


def reference(jumped, edge_index):
    # DGL: g.srcdata['h'] = jumped; update_all(copy_u('h','m'), sum('m','h'))
    # i.e. for each edge (src, dst): message m = jumped[src]; dst aggregates sum of messages.
    src = edge_index[0]
    dst = edge_index[1]
    messages = jnp.take(jumped, src, axis=0)              # copy_u: gather source features
    out = jax.ops.segment_sum(messages, dst, num_segments=jumped.shape[0])  # fn.sum scatter-add
    return out

if __name__ == "__main__":
    import jax
    _d = setup_inputs()
    print(jax.jit(kernel)(*tuple(_d.values())))

</pallas_src>

<mosaic_0001>
#map = affine_map<(d0, d1) -> (0, 0)>
#map1 = affine_map<(d0, d1) -> (0, 0, 0, 0, 0)>
#map2 = affine_map<(d0, d1) -> (0, 0, 0)>
module attributes {stable_mosaic.version = 14 : i64} {
  func.func @k(%arg0: i32, %arg1: i32, %arg2: memref<20000x128xf32, #tpu.memory_space<hbm>>, %arg3: memref<2x16x80x2x128xi32, #tpu.memory_space<hbm>>, %arg4: memref<128x128xf32, #tpu.memory_space<hbm>>, %arg5: memref<2x10240x128xf32, #tpu.memory_space<hbm>>, %arg6: memref<128x128xf32, #tpu.memory_space<vmem>>, %arg7: memref<128x128xf32, #tpu.memory_space<vmem>>, %arg8: memref<4x2x128xi32, #tpu.memory_space<vmem>>, %arg9: memref<10240x128xf32, #tpu.memory_space<vmem_shared>>, %arg10: memref<!tpu.dma_semaphore, #tpu.memory_space<semaphore_mem>>, %arg11: memref<!tpu.dma_semaphore, #tpu.memory_space<semaphore_mem>>, %arg12: memref<!tpu.dma_semaphore, #tpu.memory_space<semaphore_mem>>, %arg13: memref<!tpu.dma_semaphore, #tpu.memory_space<semaphore_mem>>, %arg14: memref<!tpu.dma_semaphore, #tpu.memory_space<semaphore_mem>>, %arg15: memref<!tpu.dma_semaphore, #tpu.memory_space<semaphore_mem>>) attributes {dimension_semantics = [#tpu.dimension_semantics<core_parallel>, #tpu.dimension_semantics<subcore_parallel>], iteration_bounds = array<i64: 2, 16>, scalar_prefetch = 0 : i64, scratch_operands = 10 : i64, tpu.core_type = #tpu.core_type<sc_vector_subcore>, window_params = [{transform_indices = #map}, {transform_indices = #map1}, {transform_indices = #map}, {transform_indices = #map2}]} {
    "tpu.region"() ({
      %run_scoped3A = tpu.sem_alloc : memref<!tpu.dma_semaphore, #tpu.memory_space<semaphore_mem>>
      tpu.enqueue_dma source(%arg4 : memref<128x128xf32, #tpu.memory_space<hbm>>) target(%arg6 : memref<128x128xf32, #tpu.memory_space<vmem>>) target_semaphore(%run_scoped3A : memref<!tpu.dma_semaphore, #tpu.memory_space<semaphore_mem>>)
      tpu.wait_dma2 semaphore(%run_scoped3A : memref<!tpu.dma_semaphore, #tpu.memory_space<semaphore_mem>>) src(%arg4 : memref<128x128xf32, #tpu.memory_space<hbm>>) dst(%arg6 : memref<128x128xf32, #tpu.memory_space<vmem>>)
      tpu.yield
    }) : () -> ()
    %mul3A = arith.constant 640 : i32
    %mul3A_0 = arith.muli %arg1, %mul3A : i32
    %add3A = arith.constant 0 : i32
    %add3A_1 = arith.addi %mul3A_0, %add3A : i32
    "tpu.region"() ({
      %run_scoped3A = tpu.sem_alloc : memref<!tpu.dma_semaphore, #tpu.memory_space<semaphore_mem>>
      %dma_start3A_149 = arith.constant 0 : i32
      %dma_start3A_150 = tpu.memref_slice %arg9[%add3A_1, %dma_start3A_149] : memref<10240x128xf32, #tpu.memory_space<vmem_shared>> -> memref<128x128xf32, #tpu.memory_space<vmem_shared>>
      %dma_start3A_151 = arith.constant 0 : i32
      %dma_start3A_152 = tpu.memref_slice %arg9[%add3A_1, %dma_start3A_151] : memref<10240x128xf32, #tpu.memory_space<vmem_shared>> -> memref<128x128xf32, #tpu.memory_space<vmem_shared>>
      tpu.enqueue_dma source(%arg6 : memref<128x128xf32, #tpu.memory_space<vmem>>) target(%dma_start3A_152 : memref<128x128xf32, #tpu.memory_space<vmem_shared>>) target_semaphore(%run_scoped3A : memref<!tpu.dma_semaphore, #tpu.memory_space<semaphore_mem>>)
      %dma_wait3A_153 = arith.constant 0 : i32
      %dma_wait3A_154 = tpu.memref_slice %arg9[%add3A_1, %dma_wait3A_153] : memref<10240x128xf32, #tpu.memory_space<vmem_shared>> -> memref<128x128xf32, #tpu.memory_space<vmem_shared>>
      %dma_wait3A_155 = arith.constant 0 : i32
      %dma_wait3A_156 = tpu.memref_slice %arg9[%add3A_1, %dma_wait3A_155] : memref<10240x128xf32, #tpu.memory_space<vmem_shared>> -> memref<128x128xf32, #tpu.memory_space<vmem_shared>>
      tpu.wait_dma2 semaphore(%run_scoped3A : memref<!tpu.dma_semaphore, #tpu.memory_space<semaphore_mem>>) src(%arg6 : memref<128x128xf32, #tpu.memory_space<vmem>>) dst(%dma_wait3A_156 : memref<128x128xf32, #tpu.memory_space<vmem_shared>>)
      tpu.yield
    }) : () -> ()
    %mul3A_2 = arith.constant 640 : i32
    %mul3A_3 = arith.muli %arg1, %mul3A_2 : i32
    %add3A_4 = arith.constant 128 : i32
    %add3A_5 = arith.addi %mul3A_3, %add3A_4 : i32
    "tpu.region"() ({
      %run_scoped3A = tpu.sem_alloc : memref<!tpu.dma_semaphore, #tpu.memory_space<semaphore_mem>>
      %dma_start3A_149 = arith.constant 0 : i32
      %dma_start3A_150 = tpu.memref_slice %arg9[%add3A_5, %dma_start3A_149] : memref<10240x128xf32, #tpu.memory_space<vmem_shared>> -> memref<128x128xf32, #tpu.memory_space<vmem_shared>>
      %dma_start3A_151 = arith.constant 0 : i32
      %dma_start3A_152 = tpu.memref_slice %arg9[%add3A_5, %dma_start3A_151] : memref<10240x128xf32, #tpu.memory_space<vmem_shared>> -> memref<128x128xf32, #tpu.memory_space<vmem_shared>>
      tpu.enqueue_dma source(%arg6 : memref<128x128xf32, #tpu.memory_space<vmem>>) target(%dma_start3A_152 : memref<128x128xf32, #tpu.memory_space<vmem_shared>>) target_semaphore(%run_scoped3A : memref<!tpu.dma_semaphore, #tpu.memory_space<semaphore_mem>>)
      %dma_wait3A_153 = arith.constant 0 : i32
      %dma_wait3A_154 = tpu.memref_slice %arg9[%add3A_5, %dma_wait3A_153] : memref<10240x128xf32, #tpu.memory_space<vmem_shared>> -> memref<128x128xf32, #tpu.memory_space<vmem_shared>>
      %dma_wait3A_155 = arith.constant 0 : i32
      %dma_wait3A_156 = tpu.memref_slice %arg9[%add3A_5, %dma_wait3A_155] : memref<10240x128xf32, #tpu.memory_space<vmem_shared>> -> memref<128x128xf32, #tpu.memory_space<vmem_shared>>
      tpu.wait_dma2 semaphore(%run_scoped3A : memref<!tpu.dma_semaphore, #tpu.memory_space<semaphore_mem>>) src(%arg6 : memref<128x128xf32, #tpu.memory_space<vmem>>) dst(%dma_wait3A_156 : memref<128x128xf32, #tpu.memory_space<vmem_shared>>)
      tpu.yield
    }) : () -> ()
    %mul3A_6 = arith.constant 640 : i32
    %mul3A_7 = arith.muli %arg1, %mul3A_6 : i32
    %add3A_8 = arith.constant 256 : i32
    %add3A_9 = arith.addi %mul3A_7, %add3A_8 : i32
    "tpu.region"() ({
      %run_scoped3A = tpu.sem_alloc : memref<!tpu.dma_semaphore, #tpu.memory_space<semaphore_mem>>
      %dma_start3A_149 = arith.constant 0 : i32
      %dma_start3A_150 = tpu.memref_slice %arg9[%add3A_9, %dma_start3A_149] : memref<10240x128xf32, #tpu.memory_space<vmem_shared>> -> memref<128x128xf32, #tpu.memory_space<vmem_shared>>
      %dma_start3A_151 = arith.constant 0 : i32
      %dma_start3A_152 = tpu.memref_slice %arg9[%add3A_9, %dma_start3A_151] : memref<10240x128xf32, #tpu.memory_space<vmem_shared>> -> memref<128x128xf32, #tpu.memory_space<vmem_shared>>
      tpu.enqueue_dma source(%arg6 : memref<128x128xf32, #tpu.memory_space<vmem>>) target(%dma_start3A_152 : memref<128x128xf32, #tpu.memory_space<vmem_shared>>) target_semaphore(%run_scoped3A : memref<!tpu.dma_semaphore, #tpu.memory_space<semaphore_mem>>)
      %dma_wait3A_153 = arith.constant 0 : i32
      %dma_wait3A_154 = tpu.memref_slice %arg9[%add3A_9, %dma_wait3A_153] : memref<10240x128xf32, #tpu.memory_space<vmem_shared>> -> memref<128x128xf32, #tpu.memory_space<vmem_shared>>
      %dma_wait3A_155 = arith.constant 0 : i32
      %dma_wait3A_156 = tpu.memref_slice %arg9[%add3A_9, %dma_wait3A_155] : memref<10240x128xf32, #tpu.memory_space<vmem_shared>> -> memref<128x128xf32, #tpu.memory_space<vmem_shared>>
      tpu.wait_dma2 semaphore(%run_scoped3A : memref<!tpu.dma_semaphore, #tpu.memory_space<semaphore_mem>>) src(%arg6 : memref<128x128xf32, #tpu.memory_space<vmem>>) dst(%dma_wait3A_156 : memref<128x128xf32, #tpu.memory_space<vmem_shared>>)
      tpu.yield
    }) : () -> ()
    %mul3A_10 = arith.constant 640 : i32
    %mul3A_11 = arith.muli %arg1, %mul3A_10 : i32
    %add3A_12 = arith.constant 384 : i32
    %add3A_13 = arith.addi %mul3A_11, %add3A_12 : i32
    "tpu.region"() ({
      %run_scoped3A = tpu.sem_alloc : memref<!tpu.dma_semaphore, #tpu.memory_space<semaphore_mem>>
      %dma_start3A_149 = arith.constant 0 : i32
      %dma_start3A_150 = tpu.memref_slice %arg9[%add3A_13, %dma_start3A_149] : memref<10240x128xf32, #tpu.memory_space<vmem_shared>> -> memref<128x128xf32, #tpu.memory_space<vmem_shared>>
      %dma_start3A_151 = arith.constant 0 : i32
      %dma_start3A_152 = tpu.memref_slice %arg9[%add3A_13, %dma_start3A_151] : memref<10240x128xf32, #tpu.memory_space<vmem_shared>> -> memref<128x128xf32, #tpu.memory_space<vmem_shared>>
      tpu.enqueue_dma source(%arg6 : memref<128x128xf32, #tpu.memory_space<vmem>>) target(%dma_start3A_152 : memref<128x128xf32, #tpu.memory_space<vmem_shared>>) target_semaphore(%run_scoped3A : memref<!tpu.dma_semaphore, #tpu.memory_space<semaphore_mem>>)
      %dma_wait3A_153 = arith.constant 0 : i32
      %dma_wait3A_154 = tpu.memref_slice %arg9[%add3A_13, %dma_wait3A_153] : memref<10240x128xf32, #tpu.memory_space<vmem_shared>> -> memref<128x128xf32, #tpu.memory_space<vmem_shared>>
      %dma_wait3A_155 = arith.constant 0 : i32
      %dma_wait3A_156 = tpu.memref_slice %arg9[%add3A_13, %dma_wait3A_155] : memref<10240x128xf32, #tpu.memory_space<vmem_shared>> -> memref<128x128xf32, #tpu.memory_space<vmem_shared>>
      tpu.wait_dma2 semaphore(%run_scoped3A : memref<!tpu.dma_semaphore, #tpu.memory_space<semaphore_mem>>) src(%arg6 : memref<128x128xf32, #tpu.memory_space<vmem>>) dst(%dma_wait3A_156 : memref<128x128xf32, #tpu.memory_space<vmem_shared>>)
      tpu.yield
    }) : () -> ()
    %mul3A_14 = arith.constant 640 : i32
    %mul3A_15 = arith.muli %arg1, %mul3A_14 : i32
    %add3A_16 = arith.constant 512 : i32
    %add3A_17 = arith.addi %mul3A_15, %add3A_16 : i32
    "tpu.region"() ({
      %run_scoped3A = tpu.sem_alloc : memref<!tpu.dma_semaphore, #tpu.memory_space<semaphore_mem>>
      %dma_start3A_149 = arith.constant 0 : i32
      %dma_start3A_150 = tpu.memref_slice %arg9[%add3A_17, %dma_start3A_149] : memref<10240x128xf32, #tpu.memory_space<vmem_shared>> -> memref<128x128xf32, #tpu.memory_space<vmem_shared>>
      %dma_start3A_151 = arith.constant 0 : i32
      %dma_start3A_152 = tpu.memref_slice %arg9[%add3A_17, %dma_start3A_151] : memref<10240x128xf32, #tpu.memory_space<vmem_shared>> -> memref<128x128xf32, #tpu.memory_space<vmem_shared>>
      tpu.enqueue_dma source(%arg6 : memref<128x128xf32, #tpu.memory_space<vmem>>) target(%dma_start3A_152 : memref<128x128xf32, #tpu.memory_space<vmem_shared>>) target_semaphore(%run_scoped3A : memref<!tpu.dma_semaphore, #tpu.memory_space<semaphore_mem>>)
      %dma_wait3A_153 = arith.constant 0 : i32
      %dma_wait3A_154 = tpu.memref_slice %arg9[%add3A_17, %dma_wait3A_153] : memref<10240x128xf32, #tpu.memory_space<vmem_shared>> -> memref<128x128xf32, #tpu.memory_space<vmem_shared>>
      %dma_wait3A_155 = arith.constant 0 : i32
      %dma_wait3A_156 = tpu.memref_slice %arg9[%add3A_17, %dma_wait3A_155] : memref<10240x128xf32, #tpu.memory_space<vmem_shared>> -> memref<128x128xf32, #tpu.memory_space<vmem_shared>>
      tpu.wait_dma2 semaphore(%run_scoped3A : memref<!tpu.dma_semaphore, #tpu.memory_space<semaphore_mem>>) src(%arg6 : memref<128x128xf32, #tpu.memory_space<vmem>>) dst(%dma_wait3A_156 : memref<128x128xf32, #tpu.memory_space<vmem_shared>>)
      tpu.yield
    }) : () -> ()
    %barrier3A = arith.constant 0 : index
    tpu.barrier barrier_id(%barrier3A)
    %dma_start3A = arith.constant 0 : i32
    %dma_start3A_18 = arith.constant 0 : i32
    %dma_start3A_19 = arith.constant 0 : i32
    %dma_start3A_20 = arith.constant 0 : i32
    %dma_start3A_21 = tpu.memref_slice %arg8[%dma_start3A_18, %dma_start3A_19, %dma_start3A_20] : memref<4x2x128xi32, #tpu.memory_space<vmem>> -> memref<1x2x128xi32, #tpu.memory_space<vmem>>
    %dma_start3A_22 = tpu.memref_squeeze %dma_start3A_21 : memref<1x2x128xi32, #tpu.memory_space<vmem>> -> memref<2x128xi32, #tpu.memory_space<vmem>>
    %dma_start3A_23 = arith.constant 0 : i32
    %dma_start3A_24 = arith.constant 0 : i32
    %dma_start3A_25 = tpu.memref_slice %arg3[%arg0, %arg1, %dma_start3A, %dma_start3A_23, %dma_start3A_24] : memref<2x16x80x2x128xi32, #tpu.memory_space<hbm>> -> memref<1x1x1x2x128xi32, #tpu.memory_space<hbm>>
    %dma_start3A_26 = tpu.memref_squeeze %dma_start3A_25 : memref<1x1x1x2x128xi32, #tpu.memory_space<hbm>> -> memref<2x128xi32, #tpu.memory_space<hbm>>
    %dma_start3A_27 = arith.constant 0 : i32
    %dma_start3A_28 = arith.constant 0 : i32
    %dma_start3A_29 = tpu.memref_slice %arg8[%dma_start3A_18, %dma_start3A_27, %dma_start3A_28] : memref<4x2x128xi32, #tpu.memory_space<vmem>> -> memref<1x2x128xi32, #tpu.memory_space<vmem>>
    %dma_start3A_30 = tpu.memref_squeeze %dma_start3A_29 : memref<1x2x128xi32, #tpu.memory_space<vmem>> -> memref<2x128xi32, #tpu.memory_space<vmem>>
    %dma_start3A_31 = arith.constant 0 : i32
    %dma_start3A_32 = arith.constant 0 : i32
    %dma_start3A_33 = tpu.memref_slice %arg3[%arg0, %arg1, %dma_start3A, %dma_start3A_31, %dma_start3A_32] : memref<2x16x80x2x128xi32, #tpu.memory_space<hbm>> -> memref<1x1x1x2x128xi32, #tpu.memory_space<hbm>>
    %dma_start3A_34 = tpu.memref_squeeze %dma_start3A_33 : memref<1x1x1x2x128xi32, #tpu.memory_space<hbm>> -> memref<2x128xi32, #tpu.memory_space<hbm>>
    tpu.enqueue_dma source(%dma_start3A_34 : memref<2x128xi32, #tpu.memory_space<hbm>>) target(%dma_start3A_30 : memref<2x128xi32, #tpu.memory_space<vmem>>) target_semaphore(%arg12 : memref<!tpu.dma_semaphore, #tpu.memory_space<semaphore_mem>>)
    %dma_start3A_35 = arith.constant 1 : i32
    %dma_start3A_36 = arith.constant 1 : i32
    %dma_start3A_37 = arith.constant 0 : i32
    %dma_start3A_38 = arith.constant 0 : i32
    %dma_start3A_39 = tpu.memref_slice %arg8[%dma_start3A_36, %dma_start3A_37, %dma_start3A_38] : memref<4x2x128xi32, #tpu.memory_space<vmem>> -> memref<1x2x128xi32, #tpu.memory_space<vmem>>
    %dma_start3A_40 = tpu.memref_squeeze %dma_start3A_39 : memref<1x2x128xi32, #tpu.memory_space<vmem>> -> memref<2x128xi32, #tpu.memory_space<vmem>>
    %dma_start3A_41 = arith.constant 0 : i32
    %dma_start3A_42 = arith.constant 0 : i32
    %dma_start3A_43 = tpu.memref_slice %arg3[%arg0, %arg1, %dma_start3A_35, %dma_start3A_41, %dma_start3A_42] : memref<2x16x80x2x128xi32, #tpu.memory_space<hbm>> -> memref<1x1x1x2x128xi32, #tpu.memory_space<hbm>>
    %dma_start3A_44 = tpu.memref_squeeze %dma_start3A_43 : memref<1x1x1x2x128xi32, #tpu.memory_space<hbm>> -> memref<2x128xi32, #tpu.memory_space<hbm>>
    %dma_start3A_45 = arith.constant 0 : i32
    %dma_start3A_46 = arith.constant 0 : i32
    %dma_start3A_47 = tpu.memref_slice %arg8[%dma_start3A_36, %dma_start3A_45, %dma_start3A_46] : memref<4x2x128xi32, #tpu.memory_space<vmem>> -> memref<1x2x128xi32, #tpu.memory_space<vmem>>
    %dma_start3A_48 = tpu.memref_squeeze %dma_start3A_47 : memref<1x2x128xi32, #tpu.memory_space<vmem>> -> memref<2x128xi32, #tpu.memory_space<vmem>>
    %dma_start3A_49 = arith.constant 0 : i32
    %dma_start3A_50 = arith.constant 0 : i32
    %dma_start3A_51 = tpu.memref_slice %arg3[%arg0, %arg1, %dma_start3A_35, %dma_start3A_49, %dma_start3A_50] : memref<2x16x80x2x128xi32, #tpu.memory_space<hbm>> -> memref<1x1x1x2x128xi32, #tpu.memory_space<hbm>>
    %dma_start3A_52 = tpu.memref_squeeze %dma_start3A_51 : memref<1x1x1x2x128xi32, #tpu.memory_space<hbm>> -> memref<2x128xi32, #tpu.memory_space<hbm>>
    tpu.enqueue_dma source(%dma_start3A_52 : memref<2x128xi32, #tpu.memory_space<hbm>>) target(%dma_start3A_48 : memref<2x128xi32, #tpu.memory_space<vmem>>) target_semaphore(%arg13 : memref<!tpu.dma_semaphore, #tpu.memory_space<semaphore_mem>>)
    %dma_start3A_53 = arith.constant 2 : i32
    %dma_start3A_54 = arith.constant 2 : i32
    %dma_start3A_55 = arith.constant 0 : i32
    %dma_start3A_56 = arith.constant 0 : i32
    %dma_start3A_57 = tpu.memref_slice %arg8[%dma_start3A_54, %dma_start3A_55, %dma_start3A_56] : memref<4x2x128xi32, #tpu.memory_space<vmem>> -> memref<1x2x128xi32, #tpu.memory_space<vmem>>
    %dma_start3A_58 = tpu.memref_squeeze %dma_start3A_57 : memref<1x2x128xi32, #tpu.memory_space<vmem>> -> memref<2x128xi32, #tpu.memory_space<vmem>>
    %dma_start3A_59 = arith.constant 0 : i32
    %dma_start3A_60 = arith.constant 0 : i32
    %dma_start3A_61 = tpu.memref_slice %arg3[%arg0, %arg1, %dma_start3A_53, %dma_start3A_59, %dma_start3A_60] : memref<2x16x80x2x128xi32, #tpu.memory_space<hbm>> -> memref<1x1x1x2x128xi32, #tpu.memory_space<hbm>>
    %dma_start3A_62 = tpu.memref_squeeze %dma_start3A_61 : memref<1x1x1x2x128xi32, #tpu.memory_space<hbm>> -> memref<2x128xi32, #tpu.memory_space<hbm>>
    %dma_start3A_63 = arith.constant 0 : i32
    %dma_start3A_64 = arith.constant 0 : i32
    %dma_start3A_65 = tpu.memref_slice %arg8[%dma_start3A_54, %dma_start3A_63, %dma_start3A_64] : memref<4x2x128xi32, #tpu.memory_space<vmem>> -> memref<1x2x128xi32, #tpu.memory_space<vmem>>
    %dma_start3A_66 = tpu.memref_squeeze %dma_start3A_65 : memref<1x2x128xi32, #tpu.memory_space<vmem>> -> memref<2x128xi32, #tpu.memory_space<vmem>>
    %dma_start3A_67 = arith.constant 0 : i32
    %dma_start3A_68 = arith.constant 0 : i32
    %dma_start3A_69 = tpu.memref_slice %arg3[%arg0, %arg1, %dma_start3A_53, %dma_start3A_67, %dma_start3A_68] : memref<2x16x80x2x128xi32, #tpu.memory_space<hbm>> -> memref<1x1x1x2x128xi32, #tpu.memory_space<hbm>>
    %dma_start3A_70 = tpu.memref_squeeze %dma_start3A_69 : memref<1x1x1x2x128xi32, #tpu.memory_space<hbm>> -> memref<2x128xi32, #tpu.memory_space<hbm>>
    tpu.enqueue_dma source(%dma_start3A_70 : memref<2x128xi32, #tpu.memory_space<hbm>>) target(%dma_start3A_66 : memref<2x128xi32, #tpu.memory_space<vmem>>) target_semaphore(%arg14 : memref<!tpu.dma_semaphore, #tpu.memory_space<semaphore_mem>>)
    %dma_start3A_71 = arith.constant 3 : i32
    %dma_start3A_72 = arith.constant 3 : i32
    %dma_start3A_73 = arith.constant 0 : i32
    %dma_start3A_74 = arith.constant 0 : i32
    %dma_start3A_75 = tpu.memref_slice %arg8[%dma_start3A_72, %dma_start3A_73, %dma_start3A_74] : memref<4x2x128xi32, #tpu.memory_space<vmem>> -> memref<1x2x128xi32, #tpu.memory_space<vmem>>
    %dma_start3A_76 = tpu.memref_squeeze %dma_start3A_75 : memref<1x2x128xi32, #tpu.memory_space<vmem>> -> memref<2x128xi32, #tpu.memory_space<vmem>>
    %dma_start3A_77 = arith.constant 0 : i32
    %dma_start3A_78 = arith.constant 0 : i32
    %dma_start3A_79 = tpu.memref_slice %arg3[%arg0, %arg1, %dma_start3A_71, %dma_start3A_77, %dma_start3A_78] : memref<2x16x80x2x128xi32, #tpu.memory_space<hbm>> -> memref<1x1x1x2x128xi32, #tpu.memory_space<hbm>>
    %dma_start3A_80 = tpu.memref_squeeze %dma_start3A_79 : memref<1x1x1x2x128xi32, #tpu.memory_space<hbm>> -> memref<2x128xi32, #tpu.memory_space<hbm>>
    %dma_start3A_81 = arith.constant 0 : i32
    %dma_start3A_82 = arith.constant 0 : i32
    %dma_start3A_83 = tpu.memref_slice %arg8[%dma_start3A_72, %dma_start3A_81, %dma_start3A_82] : memref<4x2x128xi32, #tpu.memory_space<vmem>> -> memref<1x2x128xi32, #tpu.memory_space<vmem>>
    %dma_start3A_84 = tpu.memref_squeeze %dma_start3A_83 : memref<1x2x128xi32, #tpu.memory_space<vmem>> -> memref<2x128xi32, #tpu.memory_space<vmem>>
    %dma_start3A_85 = arith.constant 0 : i32
    %dma_start3A_86 = arith.constant 0 : i32
    %dma_start3A_87 = tpu.memref_slice %arg3[%arg0, %arg1, %dma_start3A_71, %dma_start3A_85, %dma_start3A_86] : memref<2x16x80x2x128xi32, #tpu.memory_space<hbm>> -> memref<1x1x1x2x128xi32, #tpu.memory_space<hbm>>
    %dma_start3A_88 = tpu.memref_squeeze %dma_start3A_87 : memref<1x1x1x2x128xi32, #tpu.memory_space<hbm>> -> memref<2x128xi32, #tpu.memory_space<hbm>>
    tpu.enqueue_dma source(%dma_start3A_88 : memref<2x128xi32, #tpu.memory_space<hbm>>) target(%dma_start3A_84 : memref<2x128xi32, #tpu.memory_space<vmem>>) target_semaphore(%arg15 : memref<!tpu.dma_semaphore, #tpu.memory_space<semaphore_mem>>)
    %dma_wait3A = arith.constant 0 : i32
    %dma_wait3A_89 = arith.constant 0 : i32
    %dma_wait3A_90 = arith.constant 0 : i32
    %dma_wait3A_91 = arith.constant 0 : i32
    %dma_wait3A_92 = tpu.memref_slice %arg8[%dma_wait3A_89, %dma_wait3A_90, %dma_wait3A_91] : memref<4x2x128xi32, #tpu.memory_space<vmem>> -> memref<1x2x128xi32, #tpu.memory_space<vmem>>
    %dma_wait3A_93 = tpu.memref_squeeze %dma_wait3A_92 : memref<1x2x128xi32, #tpu.memory_space<vmem>> -> memref<2x128xi32, #tpu.memory_space<vmem>>
    %dma_wait3A_94 = arith.constant 0 : i32
    %dma_wait3A_95 = arith.constant 0 : i32
    %dma_wait3A_96 = tpu.memref_slice %arg3[%arg0, %arg1, %dma_wait3A, %dma_wait3A_94, %dma_wait3A_95] : memref<2x16x80x2x128xi32, #tpu.memory_space<hbm>> -> memref<1x1x1x2x128xi32, #tpu.memory_space<hbm>>
    %dma_wait3A_97 = tpu.memref_squeeze %dma_wait3A_96 : memref<1x1x1x2x128xi32, #tpu.memory_space<hbm>> -> memref<2x128xi32, #tpu.memory_space<hbm>>
    %dma_wait3A_98 = arith.constant 0 : i32
    %dma_wait3A_99 = arith.constant 0 : i32
    %dma_wait3A_100 = tpu.memref_slice %arg8[%dma_wait3A_89, %dma_wait3A_98, %dma_wait3A_99] : memref<4x2x128xi32, #tpu.memory_space<vmem>> -> memref<1x2x128xi32, #tpu.memory_space<vmem>>
    %dma_wait3A_101 = tpu.memref_squeeze %dma_wait3A_100 : memref<1x2x128xi32, #tpu.memory_space<vmem>> -> memref<2x128xi32, #tpu.memory_space<vmem>>
    %dma_wait3A_102 = arith.constant 0 : i32
    %dma_wait3A_103 = arith.constant 0 : i32
    %dma_wait3A_104 = tpu.memref_slice %arg3[%arg0, %arg1, %dma_wait3A, %dma_wait3A_102, %dma_wait3A_103] : memref<2x16x80x2x128xi32, #tpu.memory_space<hbm>> -> memref<1x1x1x2x128xi32, #tpu.memory_space<hbm>>
    %dma_wait3A_105 = tpu.memref_squeeze %dma_wait3A_104 : memref<1x1x1x2x128xi32, #tpu.memory_space<hbm>> -> memref<2x128xi32, #tpu.memory_space<hbm>>
    tpu.wait_dma2 semaphore(%arg12 : memref<!tpu.dma_semaphore, #tpu.memory_space<semaphore_mem>>) src(%dma_wait3A_105 : memref<2x128xi32, #tpu.memory_space<hbm>>) dst(%dma_wait3A_101 : memref<2x128xi32, #tpu.memory_space<vmem>>)
    %dma_start3A_106 = arith.constant 0 : i32
    %dma_start3A_107 = arith.constant 0 : i32
    %dma_start3A_108 = arith.constant 0 : i32
    %dma_start3A_109 = tpu.memref_slice %arg8[%dma_start3A_106, %dma_start3A_107, %dma_start3A_108] : memref<4x2x128xi32, #tpu.memory_space<vmem>> -> memref<1x1x128xi32, #tpu.memory_space<vmem>>
    %dma_start3A_110 = tpu.memref_squeeze %dma_start3A_109 : memref<1x1x128xi32, #tpu.memory_space<vmem>> -> memref<128xi32, #tpu.memory_space<vmem>>
    %dma_start3A_111 = arith.constant 0 : i32
    %dma_start3A_112 = arith.constant 0 : i32
    %dma_start3A_113 = tpu.memref_slice %arg2[%dma_start3A_111, %dma_start3A_112] : memref<20000x128xf32, #tpu.memory_space<hbm>> -> memref<20000x128xf32, #tpu.memory_space<hbm>>
    tpu.enqueue_indirect_dma source(%dma_start3A_113 : memref<20000x128xf32, #tpu.memory_space<hbm>>) target(%arg6 : memref<128x128xf32, #tpu.memory_space<vmem>>) offsets(%dma_start3A_110 : memref<128xi32, #tpu.memory_space<vmem>>) semaphore(%arg10 : memref<!tpu.dma_semaphore, #tpu.memory_space<semaphore_mem>>)
    %dma_wait3A_114 = arith.constant 1 : i32
    %dma_wait3A_115 = arith.constant 1 : i32
    %dma_wait3A_116 = arith.constant 0 : i32
    %dma_wait3A_117 = arith.constant 0 : i32
    %dma_wait3A_118 = tpu.memref_slice %arg8[%dma_wait3A_115, %dma_wait3A_116, %dma_wait3A_117] : memref<4x2x128xi32, #tpu.memory_space<vmem>> -> memref<1x2x128xi32, #tpu.memory_space<vmem>>
    %dma_wait3A_119 = tpu.memref_squeeze %dma_wait3A_118 : memref<1x2x128xi32, #tpu.memory_space<vmem>> -> memref<2x128xi32, #tpu.memory_space<vmem>>
    %dma_wait3A_120 = arith.constant 0 : i32
    %dma_wait3A_121 = arith.constant 0 : i32
    %dma_wait3A_122 = tpu.memref_slice %arg3[%arg0, %arg1, %dma_wait3A_114, %dma_wait3A_120, %dma_wait3A_121] : memref<2x16x80x2x128xi32, #tpu.memory_space<hbm>> -> memref<1x1x1x2x128xi32, #tpu.memory_space<hbm>>
    %dma_wait3A_123 = tpu.memref_squeeze %dma_wait3A_122 : memref<1x1x1x2x128xi32, #tpu.memory_space<hbm>> -> memref<2x128xi32, #tpu.memory_space<hbm>>
    %dma_wait3A_124 = arith.constant 0 : i32
    %dma_wait3A_125 = arith.constant 0 : i32
    %dma_wait3A_126 = tpu.memref_slice %arg8[%dma_wait3A_115, %dma_wait3A_124, %dma_wait3A_125] : memref<4x2x128xi32, #tpu.memory_space<vmem>> -> memref<1x2x128xi32, #tpu.memory_space<vmem>>
    %dma_wait3A_127 = tpu.memref_squeeze %dma_wait3A_126 : memref<1x2x128xi32, #tpu.memory_space<vmem>> -> memref<2x128xi32, #tpu.memory_space<vmem>>
    %dma_wait3A_128 = arith.constant 0 : i32
    %dma_wait3A_129 = arith.constant 0 : i32
    %dma_wait3A_130 = tpu.memref_slice %arg3[%arg0, %arg1, %dma_wait3A_114, %dma_wait3A_128, %dma_wait3A_129] : memref<2x16x80x2x128xi32, #tpu.memory_space<hbm>> -> memref<1x1x1x2x128xi32, #tpu.memory_space<hbm>>
    %dma_wait3A_131 = tpu.memref_squeeze %dma_wait3A_130 : memref<1x1x1x2x128xi32, #tpu.memory_space<hbm>> -> memref<2x128xi32, #tpu.memory_space<hbm>>
    tpu.wait_dma2 semaphore(%arg13 : memref<!tpu.dma_semaphore, #tpu.memory_space<semaphore_mem>>) src(%dma_wait3A_131 : memref<2x128xi32, #tpu.memory_space<hbm>>) dst(%dma_wait3A_127 : memref<2x128xi32, #tpu.memory_space<vmem>>)
    %dma_start3A_132 = arith.constant 1 : i32
    %dma_start3A_133 = arith.constant 0 : i32
    %dma_start3A_134 = arith.constant 0 : i32
    %dma_start3A_135 = tpu.memref_slice %arg8[%dma_start3A_132, %dma_start3A_133, %dma_start3A_134] : memref<4x2x128xi32, #tpu.memory_space<vmem>> -> memref<1x1x128xi32, #tpu.memory_space<vmem>>
    %dma_start3A_136 = tpu.memref_squeeze %dma_start3A_135 : memref<1x1x128xi32, #tpu.memory_space<vmem>> -> memref<128xi32, #tpu.memory_space<vmem>>
    %dma_start3A_137 = arith.constant 0 : i32
    %dma_start3A_138 = arith.constant 0 : i32
    %dma_start3A_139 = tpu.memref_slice %arg2[%dma_start3A_137, %dma_start3A_138] : memref<20000x128xf32, #tpu.memory_space<hbm>> -> memref<20000x128xf32, #tpu.memory_space<hbm>>
    tpu.enqueue_indirect_dma source(%dma_start3A_139 : memref<20000x128xf32, #tpu.memory_space<hbm>>) target(%arg7 : memref<128x128xf32, #tpu.memory_space<vmem>>) offsets(%dma_start3A_136 : memref<128xi32, #tpu.memory_space<vmem>>) semaphore(%arg11 : memref<!tpu.dma_semaphore, #tpu.memory_space<semaphore_mem>>)
    %scan3A = arith.constant 0 : i32
    %scan3A_140 = arith.constant 20 : i32
    %scan3A_141 = arith.addi %scan3A, %scan3A_140 : i32
    %scan3A_142 = arith.constant 1 : i32
    scf.for %scan3A_149 = %scan3A to %scan3A_141 step %scan3A_142  : i32 {
      %mul3A_150 = arith.constant 4 : i32
      %mul3A_151 = arith.muli %scan3A_149, %mul3A_150 : i32
      %add3A_152 = arith.constant 0 : i32
      %add3A_153 = arith.addi %add3A_152, %mul3A_151 : i32
      %add3A_154 = arith.constant 0 : i32
      %add3A_155 = arith.addi %add3A_153, %add3A_154 : i32
      %dma_wait3A_156 = arith.constant 0 : i32
      %dma_wait3A_157 = arith.constant 0 : i32
      %dma_wait3A_158 = arith.constant 0 : i32
      %dma_wait3A_159 = tpu.memref_slice %arg8[%dma_wait3A_156, %dma_wait3A_157, %dma_wait3A_158] : memref<4x2x128xi32, #tpu.memory_space<vmem>> -> memref<1x1x128xi32, #tpu.memory_space<vmem>>
      %dma_wait3A_160 = tpu.memref_squeeze %dma_wait3A_159 : memref<1x1x128xi32, #tpu.memory_space<vmem>> -> memref<128xi32, #tpu.memory_space<vmem>>
      %dma_wait3A_161 = arith.constant 0 : i32
      %dma_wait3A_162 = arith.constant 0 : i32
      %dma_wait3A_163 = tpu.memref_slice %arg2[%dma_wait3A_161, %dma_wait3A_162] : memref<20000x128xf32, #tpu.memory_space<hbm>> -> memref<20000x128xf32, #tpu.memory_space<hbm>>
      tpu.wait_indirect_dma semaphore(%arg10 : memref<!tpu.dma_semaphore, #tpu.memory_space<semaphore_mem>>) src(%dma_wait3A_163 : memref<20000x128xf32, #tpu.memory_space<hbm>>) dst(%arg6 : memref<128x128xf32, #tpu.memory_space<vmem>>)
      %run_scoped3A = arith.constant 0 : i32
      %run_scoped3A_164 = arith.constant 1 : i32
      "tpu.region"() ({
        %run_scoped3A_254 = tpu.sem_alloc : memref<!tpu.dma_semaphore, #tpu.memory_space<semaphore_mem>>
        %dma_start3A_255 = arith.constant 0 : i32
        %dma_start3A_256 = tpu.memref_slice %arg8[%run_scoped3A, %run_scoped3A_164, %dma_start3A_255] : memref<4x2x128xi32, #tpu.memory_space<vmem>> -> memref<1x1x128xi32, #tpu.memory_space<vmem>>
        %dma_start3A_257 = tpu.memref_squeeze %dma_start3A_256 : memref<1x1x128xi32, #tpu.memory_space<vmem>> -> memref<128xi32, #tpu.memory_space<vmem>>
        %dma_start3A_258 = arith.constant 0 : i32
        %dma_start3A_259 = arith.constant 0 : i32
        %dma_start3A_260 = tpu.memref_slice %arg9[%dma_start3A_258, %dma_start3A_259] : memref<10240x128xf32, #tpu.memory_space<vmem_shared>> -> memref<10240x128xf32, #tpu.memory_space<vmem_shared>>
        tpu.enqueue_indirect_dma source(%arg6 : memref<128x128xf32, #tpu.memory_space<vmem>>) target(%dma_start3A_260 : memref<10240x128xf32, #tpu.memory_space<vmem_shared>>) offsets(%dma_start3A_257 : memref<128xi32, #tpu.memory_space<vmem>>) semaphore(%run_scoped3A_254 : memref<!tpu.dma_semaphore, #tpu.memory_space<semaphore_mem>>) {add = true}
        %dma_wait3A_261 = arith.constant 0 : i32
        %dma_wait3A_262 = tpu.memref_slice %arg8[%run_scoped3A, %run_scoped3A_164, %dma_wait3A_261] : memref<4x2x128xi32, #tpu.memory_space<vmem>> -> memref<1x1x128xi32, #tpu.memory_space<vmem>>
        %dma_wait3A_263 = tpu.memref_squeeze %dma_wait3A_262 : memref<1x1x128xi32, #tpu.memory_space<vmem>> -> memref<128xi32, #tpu.memory_space<vmem>>
        %dma_wait3A_264 = arith.constant 0 : i32
        %dma_wait3A_265 = arith.constant 0 : i32
        %dma_wait3A_266 = tpu.memref_slice %arg9[%dma_wait3A_264, %dma_wait3A_265] : memref<10240x128xf32, #tpu.memory_space<vmem_shared>> -> memref<10240x128xf32, #tpu.memory_space<vmem_shared>>
        tpu.wait_indirect_dma semaphore(%run_scoped3A_254 : memref<!tpu.dma_semaphore, #tpu.memory_space<semaphore_mem>>) src(%arg6 : memref<128x128xf32, #tpu.memory_space<vmem>>) dst(%dma_wait3A_266 : memref<10240x128xf32, #tpu.memory_space<vmem_shared>>)
        tpu.yield
      }) : () -> ()
      %add3A_165 = arith.constant 4 : i32
      %add3A_166 = arith.addi %add3A_155, %add3A_165 : i32
      %lt3A = arith.constant 80 : i32
      %lt3A_167 = arith.cmpi slt, %add3A_166, %lt3A : i32
      %convert_element_type3A = arith.extui %lt3A_167 : i1 to i32
      %cond3A = arith.constant 0 : i32
      %cond3A_168 = arith.cmpi ne, %convert_element_type3A, %cond3A : i32
      scf.if %cond3A_168 {
        %add3A_254 = arith.constant 4 : i32
        %add3A_255 = arith.addi %add3A_155, %add3A_254 : i32
        %dma_start3A_256 = arith.constant 0 : i32
        %dma_start3A_257 = arith.constant 0 : i32
        %dma_start3A_258 = arith.constant 0 : i32
        %dma_start3A_259 = tpu.memref_slice %arg8[%dma_start3A_256, %dma_start3A_257, %dma_start3A_258] : memref<4x2x128xi32, #tpu.memory_space<vmem>> -> memref<1x2x128xi32, #tpu.memory_space<vmem>>
        %dma_start3A_260 = tpu.memref_squeeze %dma_start3A_259 : memref<1x2x128xi32, #tpu.memory_space<vmem>> -> memref<2x128xi32, #tpu.memory_space<vmem>>
        %dma_start3A_261 = arith.constant 0 : i32
        %dma_start3A_262 = arith.constant 0 : i32
        %dma_start3A_263 = tpu.memref_slice %arg3[%arg0, %arg1, %add3A_255, %dma_start3A_261, %dma_start3A_262] : memref<2x16x80x2x128xi32, #tpu.memory_space<hbm>> -> memref<1x1x1x2x128xi32, #tpu.memory_space<hbm>>
        %dma_start3A_264 = tpu.memref_squeeze %dma_start3A_263 : memref<1x1x1x2x128xi32, #tpu.memory_space<hbm>> -> memref<2x128xi32, #tpu.memory_space<hbm>>
        %dma_start3A_265 = arith.constant 0 : i32
        %dma_start3A_266 = arith.constant 0 : i32
        %dma_start3A_267 = tpu.memref_slice %arg8[%dma_start3A_256, %dma_start3A_265, %dma_start3A_266] : memref<4x2x128xi32, #tpu.memory_space<vmem>> -> memref<1x2x128xi32, #tpu.memory_space<vmem>>
        %dma_start3A_268 = tpu.memref_squeeze %dma_start3A_267 : memref<1x2x128xi32, #tpu.memory_space<vmem>> -> memref<2x128xi32, #tpu.memory_space<vmem>>
        %dma_start3A_269 = arith.constant 0 : i32
        %dma_start3A_270 = arith.constant 0 : i32
        %dma_start3A_271 = tpu.memref_slice %arg3[%arg0, %arg1, %add3A_255, %dma_start3A_269, %dma_start3A_270] : memref<2x16x80x2x128xi32, #tpu.memory_space<hbm>> -> memref<1x1x1x2x128xi32, #tpu.memory_space<hbm>>
        %dma_start3A_272 = tpu.memref_squeeze %dma_start3A_271 : memref<1x1x1x2x128xi32, #tpu.memory_space<hbm>> -> memref<2x128xi32, #tpu.memory_space<hbm>>
        tpu.enqueue_dma source(%dma_start3A_272 : memref<2x128xi32, #tpu.memory_space<hbm>>) target(%dma_start3A_268 : memref<2x128xi32, #tpu.memory_space<vmem>>) target_semaphore(%arg12 : memref<!tpu.dma_semaphore, #tpu.memory_space<semaphore_mem>>)
      } else {
      }
      %add3A_169 = arith.constant 2 : i32
      %add3A_170 = arith.addi %add3A_155, %add3A_169 : i32
      %lt3A_171 = arith.constant 80 : i32
      %lt3A_172 = arith.cmpi slt, %add3A_170, %lt3A_171 : i32
      %convert_element_type3A_173 = arith.extui %lt3A_172 : i1 to i32
      %cond3A_174 = arith.constant 0 : i32
      %cond3A_175 = arith.cmpi ne, %convert_element_type3A_173, %cond3A_174 : i32
      scf.if %cond3A_175 {
        %add3A_254 = arith.constant 2 : i32
        %add3A_255 = arith.addi %add3A_155, %add3A_254 : i32
        %dma_wait3A_256 = arith.constant 2 : i32
        %dma_wait3A_257 = arith.constant 0 : i32
        %dma_wait3A_258 = arith.constant 0 : i32
        %dma_wait3A_259 = tpu.memref_slice %arg8[%dma_wait3A_256, %dma_wait3A_257, %dma_wait3A_258] : memref<4x2x128xi32, #tpu.memory_space<vmem>> -> memref<1x2x128xi32, #tpu.memory_space<vmem>>
        %dma_wait3A_260 = tpu.memref_squeeze %dma_wait3A_259 : memref<1x2x128xi32, #tpu.memory_space<vmem>> -> memref<2x128xi32, #tpu.memory_space<vmem>>
        %dma_wait3A_261 = arith.constant 0 : i32
        %dma_wait3A_262 = arith.constant 0 : i32
        %dma_wait3A_263 = tpu.memref_slice %arg3[%arg0, %arg1, %add3A_255, %dma_wait3A_261, %dma_wait3A_262] : memref<2x16x80x2x128xi32, #tpu.memory_space<hbm>> -> memref<1x1x1x2x128xi32, #tpu.memory_space<hbm>>
        %dma_wait3A_264 = tpu.memref_squeeze %dma_wait3A_263 : memref<1x1x1x2x128xi32, #tpu.memory_space<hbm>> -> memref<2x128xi32, #tpu.memory_space<hbm>>
        %dma_wait3A_265 = arith.constant 0 : i32
        %dma_wait3A_266 = arith.constant 0 : i32
        %dma_wait3A_267 = tpu.memref_slice %arg8[%dma_wait3A_256, %dma_wait3A_265, %dma_wait3A_266] : memref<4x2x128xi32, #tpu.memory_space<vmem>> -> memref<1x2x128xi32, #tpu.memory_space<vmem>>
        %dma_wait3A_268 = tpu.memref_squeeze %dma_wait3A_267 : memref<1x2x128xi32, #tpu.memory_space<vmem>> -> memref<2x128xi32, #tpu.memory_space<vmem>>
        %dma_wait3A_269 = arith.constant 0 : i32
        %dma_wait3A_270 = arith.constant 0 : i32
        %dma_wait3A_271 = tpu.memref_slice %arg3[%arg0, %arg1, %add3A_255, %dma_wait3A_269, %dma_wait3A_270] : memref<2x16x80x2x128xi32, #tpu.memory_space<hbm>> -> memref<1x1x1x2x128xi32, #tpu.memory_space<hbm>>
        %dma_wait3A_272 = tpu.memref_squeeze %dma_wait3A_271 : memref<1x1x1x2x128xi32, #tpu.memory_space<hbm>> -> memref<2x128xi32, #tpu.memory_space<hbm>>
        tpu.wait_dma2 semaphore(%arg14 : memref<!tpu.dma_semaphore, #tpu.memory_space<semaphore_mem>>) src(%dma_wait3A_272 : memref<2x128xi32, #tpu.memory_space<hbm>>) dst(%dma_wait3A_268 : memref<2x128xi32, #tpu.memory_space<vmem>>)
        %dma_start3A_273 = arith.constant 2 : i32
        %dma_start3A_274 = arith.constant 0 : i32
        %dma_start3A_275 = arith.constant 0 : i32
        %dma_start3A_276 = tpu.memref_slice %arg8[%dma_start3A_273, %dma_start3A_274, %dma_start3A_275] : memref<4x2x128xi32, #tpu.memory_space<vmem>> -> memref<1x1x128xi32, #tpu.memory_space<vmem>>
        %dma_start3A_277 = tpu.memref_squeeze %dma_start3A_276 : memref<1x1x128xi32, #tpu.memory_space<vmem>> -> memref<128xi32, #tpu.memory_space<vmem>>
        %dma_start3A_278 = arith.constant 0 : i32
        %dma_start3A_279 = arith.constant 0 : i32
        %dma_start3A_280 = tpu.memref_slice %arg2[%dma_start3A_278, %dma_start3A_279] : memref<20000x128xf32, #tpu.memory_space<hbm>> -> memref<20000x128xf32, #tpu.memory_space<hbm>>
        tpu.enqueue_indirect_dma source(%dma_start3A_280 : memref<20000x128xf32, #tpu.memory_space<hbm>>) target(%arg6 : memref<128x128xf32, #tpu.memory_space<vmem>>) offsets(%dma_start3A_277 : memref<128xi32, #tpu.memory_space<vmem>>) semaphore(%arg10 : memref<!tpu.dma_semaphore, #tpu.memory_space<semaphore_mem>>)
      } else {
      }
      %add3A_176 = arith.constant 1 : i32
      %add3A_177 = arith.addi %add3A_153, %add3A_176 : i32
      %dma_wait3A_178 = arith.constant 1 : i32
      %dma_wait3A_179 = arith.constant 0 : i32
      %dma_wait3A_180 = arith.constant 0 : i32
      %dma_wait3A_181 = tpu.memref_slice %arg8[%dma_wait3A_178, %dma_wait3A_179, %dma_wait3A_180] : memref<4x2x128xi32, #tpu.memory_space<vmem>> -> memref<1x1x128xi32, #tpu.memory_space<vmem>>
      %dma_wait3A_182 = tpu.memref_squeeze %dma_wait3A_181 : memref<1x1x128xi32, #tpu.memory_space<vmem>> -> memref<128xi32, #tpu.memory_space<vmem>>
      %dma_wait3A_183 = arith.constant 0 : i32
      %dma_wait3A_184 = arith.constant 0 : i32
      %dma_wait3A_185 = tpu.memref_slice %arg2[%dma_wait3A_183, %dma_wait3A_184] : memref<20000x128xf32, #tpu.memory_space<hbm>> -> memref<20000x128xf32, #tpu.memory_space<hbm>>
      tpu.wait_indirect_dma semaphore(%arg11 : memref<!tpu.dma_semaphore, #tpu.memory_space<semaphore_mem>>) src(%dma_wait3A_185 : memref<20000x128xf32, #tpu.memory_space<hbm>>) dst(%arg7 : memref<128x128xf32, #tpu.memory_space<vmem>>)
      %run_scoped3A_186 = arith.constant 1 : i32
      %run_scoped3A_187 = arith.constant 1 : i32
      "tpu.region"() ({
        %run_scoped3A_254 = tpu.sem_alloc : memref<!tpu.dma_semaphore, #tpu.memory_space<semaphore_mem>>
        %dma_start3A_255 = arith.constant 0 : i32
        %dma_start3A_256 = tpu.memref_slice %arg8[%run_scoped3A_186, %run_scoped3A_187, %dma_start3A_255] : memref<4x2x128xi32, #tpu.memory_space<vmem>> -> memref<1x1x128xi32, #tpu.memory_space<vmem>>
        %dma_start3A_257 = tpu.memref_squeeze %dma_start3A_256 : memref<1x1x128xi32, #tpu.memory_space<vmem>> -> memref<128xi32, #tpu.memory_space<vmem>>
        %dma_start3A_258 = arith.constant 0 : i32
        %dma_start3A_259 = arith.constant 0 : i32
        %dma_start3A_260 = tpu.memref_slice %arg9[%dma_start3A_258, %dma_start3A_259] : memref<10240x128xf32, #tpu.memory_space<vmem_shared>> -> memref<10240x128xf32, #tpu.memory_space<vmem_shared>>
        tpu.enqueue_indirect_dma source(%arg7 : memref<128x128xf32, #tpu.memory_space<vmem>>) target(%dma_start3A_260 : memref<10240x128xf32, #tpu.memory_space<vmem_shared>>) offsets(%dma_start3A_257 : memref<128xi32, #tpu.memory_space<vmem>>) semaphore(%run_scoped3A_254 : memref<!tpu.dma_semaphore, #tpu.memory_space<semaphore_mem>>) {add = true}
        %dma_wait3A_261 = arith.constant 0 : i32
        %dma_wait3A_262 = tpu.memref_slice %arg8[%run_scoped3A_186, %run_scoped3A_187, %dma_wait3A_261] : memref<4x2x128xi32, #tpu.memory_space<vmem>> -> memref<1x1x128xi32, #tpu.memory_space<vmem>>
        %dma_wait3A_263 = tpu.memref_squeeze %dma_wait3A_262 : memref<1x1x128xi32, #tpu.memory_space<vmem>> -> memref<128xi32, #tpu.memory_space<vmem>>
        %dma_wait3A_264 = arith.constant 0 : i32
        %dma_wait3A_265 = arith.constant 0 : i32
        %dma_wait3A_266 = tpu.memref_slice %arg9[%dma_wait3A_264, %dma_wait3A_265] : memref<10240x128xf32, #tpu.memory_space<vmem_shared>> -> memref<10240x128xf32, #tpu.memory_space<vmem_shared>>
        tpu.wait_indirect_dma semaphore(%run_scoped3A_254 : memref<!tpu.dma_semaphore, #tpu.memory_space<semaphore_mem>>) src(%arg7 : memref<128x128xf32, #tpu.memory_space<vmem>>) dst(%dma_wait3A_266 : memref<10240x128xf32, #tpu.memory_space<vmem_shared>>)
        tpu.yield
      }) : () -> ()
      %add3A_188 = arith.constant 4 : i32
      %add3A_189 = arith.addi %add3A_177, %add3A_188 : i32
      %lt3A_190 = arith.constant 80 : i32
      %lt3A_191 = arith.cmpi slt, %add3A_189, %lt3A_190 : i32
      %convert_element_type3A_192 = arith.extui %lt3A_191 : i1 to i32
      %cond3A_193 = arith.constant 0 : i32
      %cond3A_194 = arith.cmpi ne, %convert_element_type3A_192, %cond3A_193 : i32
      scf.if %cond3A_194 {
        %add3A_254 = arith.constant 4 : i32
        %add3A_255 = arith.addi %add3A_177, %add3A_254 : i32
        %dma_start3A_256 = arith.constant 1 : i32
        %dma_start3A_257 = arith.constant 0 : i32
        %dma_start3A_258 = arith.constant 0 : i32
        %dma_start3A_259 = tpu.memref_slice %arg8[%dma_start3A_256, %dma_start3A_257, %dma_start3A_258] : memref<4x2x128xi32, #tpu.memory_space<vmem>> -> memref<1x2x128xi32, #tpu.memory_space<vmem>>
        %dma_start3A_260 = tpu.memref_squeeze %dma_start3A_259 : memref<1x2x128xi32, #tpu.memory_space<vmem>> -> memref<2x128xi32, #tpu.memory_space<vmem>>
        %dma_start3A_261 = arith.constant 0 : i32
        %dma_start3A_262 = arith.constant 0 : i32
        %dma_start3A_263 = tpu.memref_slice %arg3[%arg0, %arg1, %add3A_255, %dma_start3A_261, %dma_start3A_262] : memref<2x16x80x2x128xi32, #tpu.memory_space<hbm>> -> memref<1x1x1x2x128xi32, #tpu.memory_space<hbm>>
        %dma_start3A_264 = tpu.memref_squeeze %dma_start3A_263 : memref<1x1x1x2x128xi32, #tpu.memory_space<hbm>> -> memref<2x128xi32, #tpu.memory_space<hbm>>
        %dma_start3A_265 = arith.constant 0 : i32
        %dma_start3A_266 = arith.constant 0 : i32
        %dma_start3A_267 = tpu.memref_slice %arg8[%dma_start3A_256, %dma_start3A_265, %dma_start3A_266] : memref<4x2x128xi32, #tpu.memory_space<vmem>> -> memref<1x2x128xi32, #tpu.memory_space<vmem>>
        %dma_start3A_268 = tpu.memref_squeeze %dma_start3A_267 : memref<1x2x128xi32, #tpu.memory_space<vmem>> -> memref<2x128xi32, #tpu.memory_space<vmem>>
        %dma_start3A_269 = arith.constant 0 : i32
        %dma_start3A_270 = arith.constant 0 : i32
        %dma_start3A_271 = tpu.memref_slice %arg3[%arg0, %arg1, %add3A_255, %dma_start3A_269, %dma_start3A_270] : memref<2x16x80x2x128xi32, #tpu.memory_space<hbm>> -> memref<1x1x1x2x128xi32, #tpu.memory_space<hbm>>
        %dma_start3A_272 = tpu.memref_squeeze %dma_start3A_271 : memref<1x1x1x2x128xi32, #tpu.memory_space<hbm>> -> memref<2x128xi32, #tpu.memory_space<hbm>>
        tpu.enqueue_dma source(%dma_start3A_272 : memref<2x128xi32, #tpu.memory_space<hbm>>) target(%dma_start3A_268 : memref<2x128xi32, #tpu.memory_space<vmem>>) target_semaphore(%arg13 : memref<!tpu.dma_semaphore, #tpu.memory_space<semaphore_mem>>)
      } else {
      }
      %add3A_195 = arith.constant 2 : i32
      %add3A_196 = arith.addi %add3A_177, %add3A_195 : i32
      %lt3A_197 = arith.constant 80 : i32
      %lt3A_198 = arith.cmpi slt, %add3A_196, %lt3A_197 : i32
      %convert_element_type3A_199 = arith.extui %lt3A_198 : i1 to i32
      %cond3A_200 = arith.constant 0 : i32
      %cond3A_201 = arith.cmpi ne, %convert_element_type3A_199, %cond3A_200 : i32
      scf.if %cond3A_201 {
        %add3A_254 = arith.constant 2 : i32
        %add3A_255 = arith.addi %add3A_177, %add3A_254 : i32
        %dma_wait3A_256 = arith.constant 3 : i32
        %dma_wait3A_257 = arith.constant 0 : i32
        %dma_wait3A_258 = arith.constant 0 : i32
        %dma_wait3A_259 = tpu.memref_slice %arg8[%dma_wait3A_256, %dma_wait3A_257, %dma_wait3A_258] : memref<4x2x128xi32, #tpu.memory_space<vmem>> -> memref<1x2x128xi32, #tpu.memory_space<vmem>>
        %dma_wait3A_260 = tpu.memref_squeeze %dma_wait3A_259 : memref<1x2x128xi32, #tpu.memory_space<vmem>> -> memref<2x128xi32, #tpu.memory_space<vmem>>
        %dma_wait3A_261 = arith.constant 0 : i32
        %dma_wait3A_262 = arith.constant 0 : i32
        %dma_wait3A_263 = tpu.memref_slice %arg3[%arg0, %arg1, %add3A_255, %dma_wait3A_261, %dma_wait3A_262] : memref<2x16x80x2x128xi32, #tpu.memory_space<hbm>> -> memref<1x1x1x2x128xi32, #tpu.memory_space<hbm>>
        %dma_wait3A_264 = tpu.memref_squeeze %dma_wait3A_263 : memref<1x1x1x2x128xi32, #tpu.memory_space<hbm>> -> memref<2x128xi32, #tpu.memory_space<hbm>>
        %dma_wait3A_265 = arith.constant 0 : i32
        %dma_wait3A_266 = arith.constant 0 : i32
        %dma_wait3A_267 = tpu.memref_slice %arg8[%dma_wait3A_256, %dma_wait3A_265, %dma_wait3A_266] : memref<4x2x128xi32, #tpu.memory_space<vmem>> -> memref<1x2x128xi32, #tpu.memory_space<vmem>>
        %dma_wait3A_268 = tpu.memref_squeeze %dma_wait3A_267 : memref<1x2x128xi32, #tpu.memory_space<vmem>> -> memref<2x128xi32, #tpu.memory_space<vmem>>
        %dma_wait3A_269 = arith.constant 0 : i32
        %dma_wait3A_270 = arith.constant 0 : i32
        %dma_wait3A_271 = tpu.memref_slice %arg3[%arg0, %arg1, %add3A_255, %dma_wait3A_269, %dma_wait3A_270] : memref<2x16x80x2x128xi32, #tpu.memory_space<hbm>> -> memref<1x1x1x2x128xi32, #tpu.memory_space<hbm>>
        %dma_wait3A_272 = tpu.memref_squeeze %dma_wait3A_271 : memref<1x1x1x2x128xi32, #tpu.memory_space<hbm>> -> memref<2x128xi32, #tpu.memory_space<hbm>>
        tpu.wait_dma2 semaphore(%arg15 : memref<!tpu.dma_semaphore, #tpu.memory_space<semaphore_mem>>) src(%dma_wait3A_272 : memref<2x128xi32, #tpu.memory_space<hbm>>) dst(%dma_wait3A_268 : memref<2x128xi32, #tpu.memory_space<vmem>>)
        %dma_start3A_273 = arith.constant 3 : i32
        %dma_start3A_274 = arith.constant 0 : i32
        %dma_start3A_275 = arith.constant 0 : i32
        %dma_start3A_276 = tpu.memref_slice %arg8[%dma_start3A_273, %dma_start3A_274, %dma_start3A_275] : memref<4x2x128xi32, #tpu.memory_space<vmem>> -> memref<1x1x128xi32, #tpu.memory_space<vmem>>
        %dma_start3A_277 = tpu.memref_squeeze %dma_start3A_276 : memref<1x1x128xi32, #tpu.memory_space<vmem>> -> memref<128xi32, #tpu.memory_space<vmem>>
        %dma_start3A_278 = arith.constant 0 : i32
        %dma_start3A_279 = arith.constant 0 : i32
        %dma_start3A_280 = tpu.memref_slice %arg2[%dma_start3A_278, %dma_start3A_279] : memref<20000x128xf32, #tpu.memory_space<hbm>> -> memref<20000x128xf32, #tpu.memory_space<hbm>>
        tpu.enqueue_indirect_dma source(%dma_start3A_280 : memref<20000x128xf32, #tpu.memory_space<hbm>>) target(%arg7 : memref<128x128xf32, #tpu.memory_space<vmem>>) offsets(%dma_start3A_277 : memref<128xi32, #tpu.memory_space<vmem>>) semaphore(%arg11 : memref<!tpu.dma_semaphore, #tpu.memory_space<semaphore_mem>>)
      } else {
      }
      %add3A_202 = arith.constant 2 : i32
      %add3A_203 = arith.addi %add3A_153, %add3A_202 : i32
      %dma_wait3A_204 = arith.constant 2 : i32
      %dma_wait3A_205 = arith.constant 0 : i32
      %dma_wait3A_206 = arith.constant 0 : i32
      %dma_wait3A_207 = tpu.memref_slice %arg8[%dma_wait3A_204, %dma_wait3A_205, %dma_wait3A_206] : memref<4x2x128xi32, #tpu.memory_space<vmem>> -> memref<1x1x128xi32, #tpu.memory_space<vmem>>
      %dma_wait3A_208 = tpu.memref_squeeze %dma_wait3A_207 : memref<1x1x128xi32, #tpu.memory_space<vmem>> -> memref<128xi32, #tpu.memory_space<vmem>>
      %dma_wait3A_209 = arith.constant 0 : i32
      %dma_wait3A_210 = arith.constant 0 : i32
      %dma_wait3A_211 = tpu.memref_slice %arg2[%dma_wait3A_209, %dma_wait3A_210] : memref<20000x128xf32, #tpu.memory_space<hbm>> -> memref<20000x128xf32, #tpu.memory_space<hbm>>
      tpu.wait_indirect_dma semaphore(%arg10 : memref<!tpu.dma_semaphore, #tpu.memory_space<semaphore_mem>>) src(%dma_wait3A_211 : memref<20000x128xf32, #tpu.memory_space<hbm>>) dst(%arg6 : memref<128x128xf32, #tpu.memory_space<vmem>>)
      %run_scoped3A_212 = arith.constant 2 : i32
      %run_scoped3A_213 = arith.constant 1 : i32
      "tpu.region"() ({
        %run_scoped3A_254 = tpu.sem_alloc : memref<!tpu.dma_semaphore, #tpu.memory_space<semaphore_mem>>
        %dma_start3A_255 = arith.constant 0 : i32
        %dma_start3A_256 = tpu.memref_slice %arg8[%run_scoped3A_212, %run_scoped3A_213, %dma_start3A_255] : memref<4x2x128xi32, #tpu.memory_space<vmem>> -> memref<1x1x128xi32, #tpu.memory_space<vmem>>
        %dma_start3A_257 = tpu.memref_squeeze %dma_start3A_256 : memref<1x1x128xi32, #tpu.memory_space<vmem>> -> memref<128xi32, #tpu.memory_space<vmem>>
        %dma_start3A_258 = arith.constant 0 : i32
        %dma_start3A_259 = arith.constant 0 : i32
        %dma_start3A_260 = tpu.memref_slice %arg9[%dma_start3A_258, %dma_start3A_259] : memref<10240x128xf32, #tpu.memory_space<vmem_shared>> -> memref<10240x128xf32, #tpu.memory_space<vmem_shared>>
        tpu.enqueue_indirect_dma source(%arg6 : memref<128x128xf32, #tpu.memory_space<vmem>>) target(%dma_start3A_260 : memref<10240x128xf32, #tpu.memory_space<vmem_shared>>) offsets(%dma_start3A_257 : memref<128xi32, #tpu.memory_space<vmem>>) semaphore(%run_scoped3A_254 : memref<!tpu.dma_semaphore, #tpu.memory_space<semaphore_mem>>) {add = true}
        %dma_wait3A_261 = arith.constant 0 : i32
        %dma_wait3A_262 = tpu.memref_slice %arg8[%run_scoped3A_212, %run_scoped3A_213, %dma_wait3A_261] : memref<4x2x128xi32, #tpu.memory_space<vmem>> -> memref<1x1x128xi32, #tpu.memory_space<vmem>>
        %dma_wait3A_263 = tpu.memref_squeeze %dma_wait3A_262 : memref<1x1x128xi32, #tpu.memory_space<vmem>> -> memref<128xi32, #tpu.memory_space<vmem>>
        %dma_wait3A_264 = arith.constant 0 : i32
        %dma_wait3A_265 = arith.constant 0 : i32
        %dma_wait3A_266 = tpu.memref_slice %arg9[%dma_wait3A_264, %dma_wait3A_265] : memref<10240x128xf32, #tpu.memory_space<vmem_shared>> -> memref<10240x128xf32, #tpu.memory_space<vmem_shared>>
        tpu.wait_indirect_dma semaphore(%run_scoped3A_254 : memref<!tpu.dma_semaphore, #tpu.memory_space<semaphore_mem>>) src(%arg6 : memref<128x128xf32, #tpu.memory_space<vmem>>) dst(%dma_wait3A_266 : memref<10240x128xf32, #tpu.memory_space<vmem_shared>>)
        tpu.yield
      }) : () -> ()
      %add3A_214 = arith.constant 4 : i32
      %add3A_215 = arith.addi %add3A_203, %add3A_214 : i32
      %lt3A_216 = arith.constant 80 : i32
      %lt3A_217 = arith.cmpi slt, %add3A_215, %lt3A_216 : i32
      %convert_element_type3A_218 = arith.extui %lt3A_217 : i1 to i32
      %cond3A_219 = arith.constant 0 : i32
      %cond3A_220 = arith.cmpi ne, %convert_element_type3A_218, %cond3A_219 : i32
      scf.if %cond3A_220 {
        %add3A_254 = arith.constant 4 : i32
        %add3A_255 = arith.addi %add3A_203, %add3A_254 : i32
        %dma_start3A_256 = arith.constant 2 : i32
        %dma_start3A_257 = arith.constant 0 : i32
        %dma_start3A_258 = arith.constant 0 : i32
        %dma_start3A_259 = tpu.memref_slice %arg8[%dma_start3A_256, %dma_start3A_257, %dma_start3A_258] : memref<4x2x128xi32, #tpu.memory_space<vmem>> -> memref<1x2x128xi32, #tpu.memory_space<vmem>>
        %dma_start3A_260 = tpu.memref_squeeze %dma_start3A_259 : memref<1x2x128xi32, #tpu.memory_space<vmem>> -> memref<2x128xi32, #tpu.memory_space<vmem>>
        %dma_start3A_261 = arith.constant 0 : i32
        %dma_start3A_262 = arith.constant 0 : i32
        %dma_start3A_263 = tpu.memref_slice %arg3[%arg0, %arg1, %add3A_255, %dma_start3A_261, %dma_start3A_262] : memref<2x16x80x2x128xi32, #tpu.memory_space<hbm>> -> memref<1x1x1x2x128xi32, #tpu.memory_space<hbm>>
        %dma_start3A_264 = tpu.memref_squeeze %dma_start3A_263 : memref<1x1x1x2x128xi32, #tpu.memory_space<hbm>> -> memref<2x128xi32, #tpu.memory_space<hbm>>
        %dma_start3A_265 = arith.constant 0 : i32
        %dma_start3A_266 = arith.constant 0 : i32
        %dma_start3A_267 = tpu.memref_slice %arg8[%dma_start3A_256, %dma_start3A_265, %dma_start3A_266] : memref<4x2x128xi32, #tpu.memory_space<vmem>> -> memref<1x2x128xi32, #tpu.memory_space<vmem>>
        %dma_start3A_268 = tpu.memref_squeeze %dma_start3A_267 : memref<1x2x128xi32, #tpu.memory_space<vmem>> -> memref<2x128xi32, #tpu.memory_space<vmem>>
        %dma_start3A_269 = arith.constant 0 : i32
        %dma_start3A_270 = arith.constant 0 : i32
        %dma_start3A_271 = tpu.memref_slice %arg3[%arg0, %arg1, %add3A_255, %dma_start3A_269, %dma_start3A_270] : memref<2x16x80x2x128xi32, #tpu.memory_space<hbm>> -> memref<1x1x1x2x128xi32, #tpu.memory_space<hbm>>
        %dma_start3A_272 = tpu.memref_squeeze %dma_start3A_271 : memref<1x1x1x2x128xi32, #tpu.memory_space<hbm>> -> memref<2x128xi32, #tpu.memory_space<hbm>>
        tpu.enqueue_dma source(%dma_start3A_272 : memref<2x128xi32, #tpu.memory_space<hbm>>) target(%dma_start3A_268 : memref<2x128xi32, #tpu.memory_space<vmem>>) target_semaphore(%arg14 : memref<!tpu.dma_semaphore, #tpu.memory_space<semaphore_mem>>)
      } else {
      }
      %add3A_221 = arith.constant 2 : i32
      %add3A_222 = arith.addi %add3A_203, %add3A_221 : i32
      %lt3A_223 = arith.constant 80 : i32
      %lt3A_224 = arith.cmpi slt, %add3A_222, %lt3A_223 : i32
      %convert_element_type3A_225 = arith.extui %lt3A_224 : i1 to i32
      %cond3A_226 = arith.constant 0 : i32
      %cond3A_227 = arith.cmpi ne, %convert_element_type3A_225, %cond3A_226 : i32
      scf.if %cond3A_227 {
        %add3A_254 = arith.constant 2 : i32
        %add3A_255 = arith.addi %add3A_203, %add3A_254 : i32
        %dma_wait3A_256 = arith.constant 0 : i32
        %dma_wait3A_257 = arith.constant 0 : i32
        %dma_wait3A_258 = arith.constant 0 : i32
        %dma_wait3A_259 = tpu.memref_slice %arg8[%dma_wait3A_256, %dma_wait3A_257, %dma_wait3A_258] : memref<4x2x128xi32, #tpu.memory_space<vmem>> -> memref<1x2x128xi32, #tpu.memory_space<vmem>>
        %dma_wait3A_260 = tpu.memref_squeeze %dma_wait3A_259 : memref<1x2x128xi32, #tpu.memory_space<vmem>> -> memref<2x128xi32, #tpu.memory_space<vmem>>
        %dma_wait3A_261 = arith.constant 0 : i32
        %dma_wait3A_262 = arith.constant 0 : i32
        %dma_wait3A_263 = tpu.memref_slice %arg3[%arg0, %arg1, %add3A_255, %dma_wait3A_261, %dma_wait3A_262] : memref<2x16x80x2x128xi32, #tpu.memory_space<hbm>> -> memref<1x1x1x2x128xi32, #tpu.memory_space<hbm>>
        %dma_wait3A_264 = tpu.memref_squeeze %dma_wait3A_263 : memref<1x1x1x2x128xi32, #tpu.memory_space<hbm>> -> memref<2x128xi32, #tpu.memory_space<hbm>>
        %dma_wait3A_265 = arith.constant 0 : i32
        %dma_wait3A_266 = arith.constant 0 : i32
        %dma_wait3A_267 = tpu.memref_slice %arg8[%dma_wait3A_256, %dma_wait3A_265, %dma_wait3A_266] : memref<4x2x128xi32, #tpu.memory_space<vmem>> -> memref<1x2x128xi32, #tpu.memory_space<vmem>>
        %dma_wait3A_268 = tpu.memref_squeeze %dma_wait3A_267 : memref<1x2x128xi32, #tpu.memory_space<vmem>> -> memref<2x128xi32, #tpu.memory_space<vmem>>
        %dma_wait3A_269 = arith.constant 0 : i32
        %dma_wait3A_270 = arith.constant 0 : i32
        %dma_wait3A_271 = tpu.memref_slice %arg3[%arg0, %arg1, %add3A_255, %dma_wait3A_269, %dma_wait3A_270] : memref<2x16x80x2x128xi32, #tpu.memory_space<hbm>> -> memref<1x1x1x2x128xi32, #tpu.memory_space<hbm>>
        %dma_wait3A_272 = tpu.memref_squeeze %dma_wait3A_271 : memref<1x1x1x2x128xi32, #tpu.memory_space<hbm>> -> memref<2x128xi32, #tpu.memory_space<hbm>>
        tpu.wait_dma2 semaphore(%arg12 : memref<!tpu.dma_semaphore, #tpu.memory_space<semaphore_mem>>) src(%dma_wait3A_272 : memref<2x128xi32, #tpu.memory_space<hbm>>) dst(%dma_wait3A_268 : memref<2x128xi32, #tpu.memory_space<vmem>>)
        %dma_start3A_273 = arith.constant 0 : i32
        %dma_start3A_274 = arith.constant 0 : i32
        %dma_start3A_275 = arith.constant 0 : i32
        %dma_start3A_276 = tpu.memref_slice %arg8[%dma_start3A_273, %dma_start3A_274, %dma_start3A_275] : memref<4x2x128xi32, #tpu.memory_space<vmem>> -> memref<1x1x128xi32, #tpu.memory_space<vmem>>
        %dma_start3A_277 = tpu.memref_squeeze %dma_start3A_276 : memref<1x1x128xi32, #tpu.memory_space<vmem>> -> memref<128xi32, #tpu.memory_space<vmem>>
        %dma_start3A_278 = arith.constant 0 : i32
        %dma_start3A_279 = arith.constant 0 : i32
        %dma_start3A_280 = tpu.memref_slice %arg2[%dma_start3A_278, %dma_start3A_279] : memref<20000x128xf32, #tpu.memory_space<hbm>> -> memref<20000x128xf32, #tpu.memory_space<hbm>>
        tpu.enqueue_indirect_dma source(%dma_start3A_280 : memref<20000x128xf32, #tpu.memory_space<hbm>>) target(%arg6 : memref<128x128xf32, #tpu.memory_space<vmem>>) offsets(%dma_start3A_277 : memref<128xi32, #tpu.memory_space<vmem>>) semaphore(%arg10 : memref<!tpu.dma_semaphore, #tpu.memory_space<semaphore_mem>>)
      } else {
      }
      %add3A_228 = arith.constant 3 : i32
      %add3A_229 = arith.addi %add3A_153, %add3A_228 : i32
      %dma_wait3A_230 = arith.constant 3 : i32
      %dma_wait3A_231 = arith.constant 0 : i32
      %dma_wait3A_232 = arith.constant 0 : i32
      %dma_wait3A_233 = tpu.memref_slice %arg8[%dma_wait3A_230, %dma_wait3A_231, %dma_wait3A_232] : memref<4x2x128xi32, #tpu.memory_space<vmem>> -> memref<1x1x128xi32, #tpu.memory_space<vmem>>
      %dma_wait3A_234 = tpu.memref_squeeze %dma_wait3A_233 : memref<1x1x128xi32, #tpu.memory_space<vmem>> -> memref<128xi32, #tpu.memory_space<vmem>>
      %dma_wait3A_235 = arith.constant 0 : i32
      %dma_wait3A_236 = arith.constant 0 : i32
      %dma_wait3A_237 = tpu.memref_slice %arg2[%dma_wait3A_235, %dma_wait3A_236] : memref<20000x128xf32, #tpu.memory_space<hbm>> -> memref<20000x128xf32, #tpu.memory_space<hbm>>
      tpu.wait_indirect_dma semaphore(%arg11 : memref<!tpu.dma_semaphore, #tpu.memory_space<semaphore_mem>>) src(%dma_wait3A_237 : memref<20000x128xf32, #tpu.memory_space<hbm>>) dst(%arg7 : memref<128x128xf32, #tpu.memory_space<vmem>>)
      %run_scoped3A_238 = arith.constant 3 : i32
      %run_scoped3A_239 = arith.constant 1 : i32
      "tpu.region"() ({
        %run_scoped3A_254 = tpu.sem_alloc : memref<!tpu.dma_semaphore, #tpu.memory_space<semaphore_mem>>
        %dma_start3A_255 = arith.constant 0 : i32
        %dma_start3A_256 = tpu.memref_slice %arg8[%run_scoped3A_238, %run_scoped3A_239, %dma_start3A_255] : memref<4x2x128xi32, #tpu.memory_space<vmem>> -> memref<1x1x128xi32, #tpu.memory_space<vmem>>
        %dma_start3A_257 = tpu.memref_squeeze %dma_start3A_256 : memref<1x1x128xi32, #tpu.memory_space<vmem>> -> memref<128xi32, #tpu.memory_space<vmem>>
        %dma_start3A_258 = arith.constant 0 : i32
        %dma_start3A_259 = arith.constant 0 : i32
        %dma_start3A_260 = tpu.memref_slice %arg9[%dma_start3A_258, %dma_start3A_259] : memref<10240x128xf32, #tpu.memory_space<vmem_shared>> -> memref<10240x128xf32, #tpu.memory_space<vmem_shared>>
        tpu.enqueue_indirect_dma source(%arg7 : memref<128x128xf32, #tpu.memory_space<vmem>>) target(%dma_start3A_260 : memref<10240x128xf32, #tpu.memory_space<vmem_shared>>) offsets(%dma_start3A_257 : memref<128xi32, #tpu.memory_space<vmem>>) semaphore(%run_scoped3A_254 : memref<!tpu.dma_semaphore, #tpu.memory_space<semaphore_mem>>) {add = true}
        %dma_wait3A_261 = arith.constant 0 : i32
        %dma_wait3A_262 = tpu.memref_slice %arg8[%run_scoped3A_238, %run_scoped3A_239, %dma_wait3A_261] : memref<4x2x128xi32, #tpu.memory_space<vmem>> -> memref<1x1x128xi32, #tpu.memory_space<vmem>>
        %dma_wait3A_263 = tpu.memref_squeeze %dma_wait3A_262 : memref<1x1x128xi32, #tpu.memory_space<vmem>> -> memref<128xi32, #tpu.memory_space<vmem>>
        %dma_wait3A_264 = arith.constant 0 : i32
        %dma_wait3A_265 = arith.constant 0 : i32
        %dma_wait3A_266 = tpu.memref_slice %arg9[%dma_wait3A_264, %dma_wait3A_265] : memref<10240x128xf32, #tpu.memory_space<vmem_shared>> -> memref<10240x128xf32, #tpu.memory_space<vmem_shared>>
        tpu.wait_indirect_dma semaphore(%run_scoped3A_254 : memref<!tpu.dma_semaphore, #tpu.memory_space<semaphore_mem>>) src(%arg7 : memref<128x128xf32, #tpu.memory_space<vmem>>) dst(%dma_wait3A_266 : memref<10240x128xf32, #tpu.memory_space<vmem_shared>>)
        tpu.yield
      }) : () -> ()
      %add3A_240 = arith.constant 4 : i32
      %add3A_241 = arith.addi %add3A_229, %add3A_240 : i32
      %lt3A_242 = arith.constant 80 : i32
      %lt3A_243 = arith.cmpi slt, %add3A_241, %lt3A_242 : i32
      %convert_element_type3A_244 = arith.extui %lt3A_243 : i1 to i32
      %cond3A_245 = arith.constant 0 : i32
      %cond3A_246 = arith.cmpi ne, %convert_element_type3A_244, %cond3A_245 : i32
      scf.if %cond3A_246 {
        %add3A_254 = arith.constant 4 : i32
        %add3A_255 = arith.addi %add3A_229, %add3A_254 : i32
        %dma_start3A_256 = arith.constant 3 : i32
        %dma_start3A_257 = arith.constant 0 : i32
        %dma_start3A_258 = arith.constant 0 : i32
        %dma_start3A_259 = tpu.memref_slice %arg8[%dma_start3A_256, %dma_start3A_257, %dma_start3A_258] : memref<4x2x128xi32, #tpu.memory_space<vmem>> -> memref<1x2x128xi32, #tpu.memory_space<vmem>>
        %dma_start3A_260 = tpu.memref_squeeze %dma_start3A_259 : memref<1x2x128xi32, #tpu.memory_space<vmem>> -> memref<2x128xi32, #tpu.memory_space<vmem>>
        %dma_start3A_261 = arith.constant 0 : i32
        %dma_start3A_262 = arith.constant 0 : i32
        %dma_start3A_263 = tpu.memref_slice %arg3[%arg0, %arg1, %add3A_255, %dma_start3A_261, %dma_start3A_262] : memref<2x16x80x2x128xi32, #tpu.memory_space<hbm>> -> memref<1x1x1x2x128xi32, #tpu.memory_space<hbm>>
        %dma_start3A_264 = tpu.memref_squeeze %dma_start3A_263 : memref<1x1x1x2x128xi32, #tpu.memory_space<hbm>> -> memref<2x128xi32, #tpu.memory_space<hbm>>
        %dma_start3A_265 = arith.constant 0 : i32
        %dma_start3A_266 = arith.constant 0 : i32
        %dma_start3A_267 = tpu.memref_slice %arg8[%dma_start3A_256, %dma_start3A_265, %dma_start3A_266] : memref<4x2x128xi32, #tpu.memory_space<vmem>> -> memref<1x2x128xi32, #tpu.memory_space<vmem>>
        %dma_start3A_268 = tpu.memref_squeeze %dma_start3A_267 : memref<1x2x128xi32, #tpu.memory_space<vmem>> -> memref<2x128xi32, #tpu.memory_space<vmem>>
        %dma_start3A_269 = arith.constant 0 : i32
        %dma_start3A_270 = arith.constant 0 : i32
        %dma_start3A_271 = tpu.memref_slice %arg3[%arg0, %arg1, %add3A_255, %dma_start3A_269, %dma_start3A_270] : memref<2x16x80x2x128xi32, #tpu.memory_space<hbm>> -> memref<1x1x1x2x128xi32, #tpu.memory_space<hbm>>
        %dma_start3A_272 = tpu.memref_squeeze %dma_start3A_271 : memref<1x1x1x2x128xi32, #tpu.memory_space<hbm>> -> memref<2x128xi32, #tpu.memory_space<hbm>>
        tpu.enqueue_dma source(%dma_start3A_272 : memref<2x128xi32, #tpu.memory_space<hbm>>) target(%dma_start3A_268 : memref<2x128xi32, #tpu.memory_space<vmem>>) target_semaphore(%arg15 : memref<!tpu.dma_semaphore, #tpu.memory_space<semaphore_mem>>)
      } else {
      }
      %add3A_247 = arith.constant 2 : i32
      %add3A_248 = arith.addi %add3A_229, %add3A_247 : i32
      %lt3A_249 = arith.constant 80 : i32
      %lt3A_250 = arith.cmpi slt, %add3A_248, %lt3A_249 : i32
      %convert_element_type3A_251 = arith.extui %lt3A_250 : i1 to i32
      %cond3A_252 = arith.constant 0 : i32
      %cond3A_253 = arith.cmpi ne, %convert_element_type3A_251, %cond3A_252 : i32
      scf.if %cond3A_253 {
        %add3A_254 = arith.constant 2 : i32
        %add3A_255 = arith.addi %add3A_229, %add3A_254 : i32
        %dma_wait3A_256 = arith.constant 1 : i32
        %dma_wait3A_257 = arith.constant 0 : i32
        %dma_wait3A_258 = arith.constant 0 : i32
        %dma_wait3A_259 = tpu.memref_slice %arg8[%dma_wait3A_256, %dma_wait3A_257, %dma_wait3A_258] : memref<4x2x128xi32, #tpu.memory_space<vmem>> -> memref<1x2x128xi32, #tpu.memory_space<vmem>>
        %dma_wait3A_260 = tpu.memref_squeeze %dma_wait3A_259 : memref<1x2x128xi32, #tpu.memory_space<vmem>> -> memref<2x128xi32, #tpu.memory_space<vmem>>
        %dma_wait3A_261 = arith.constant 0 : i32
        %dma_wait3A_262 = arith.constant 0 : i32
        %dma_wait3A_263 = tpu.memref_slice %arg3[%arg0, %arg1, %add3A_255, %dma_wait3A_261, %dma_wait3A_262] : memref<2x16x80x2x128xi32, #tpu.memory_space<hbm>> -> memref<1x1x1x2x128xi32, #tpu.memory_space<hbm>>
        %dma_wait3A_264 = tpu.memref_squeeze %dma_wait3A_263 : memref<1x1x1x2x128xi32, #tpu.memory_space<hbm>> -> memref<2x128xi32, #tpu.memory_space<hbm>>
        %dma_wait3A_265 = arith.constant 0 : i32
        %dma_wait3A_266 = arith.constant 0 : i32
        %dma_wait3A_267 = tpu.memref_slice %arg8[%dma_wait3A_256, %dma_wait3A_265, %dma_wait3A_266] : memref<4x2x128xi32, #tpu.memory_space<vmem>> -> memref<1x2x128xi32, #tpu.memory_space<vmem>>
        %dma_wait3A_268 = tpu.memref_squeeze %dma_wait3A_267 : memref<1x2x128xi32, #tpu.memory_space<vmem>> -> memref<2x128xi32, #tpu.memory_space<vmem>>
        %dma_wait3A_269 = arith.constant 0 : i32
        %dma_wait3A_270 = arith.constant 0 : i32
        %dma_wait3A_271 = tpu.memref_slice %arg3[%arg0, %arg1, %add3A_255, %dma_wait3A_269, %dma_wait3A_270] : memref<2x16x80x2x128xi32, #tpu.memory_space<hbm>> -> memref<1x1x1x2x128xi32, #tpu.memory_space<hbm>>
        %dma_wait3A_272 = tpu.memref_squeeze %dma_wait3A_271 : memref<1x1x1x2x128xi32, #tpu.memory_space<hbm>> -> memref<2x128xi32, #tpu.memory_space<hbm>>
        tpu.wait_dma2 semaphore(%arg13 : memref<!tpu.dma_semaphore, #tpu.memory_space<semaphore_mem>>) src(%dma_wait3A_272 : memref<2x128xi32, #tpu.memory_space<hbm>>) dst(%dma_wait3A_268 : memref<2x128xi32, #tpu.memory_space<vmem>>)
        %dma_start3A_273 = arith.constant 1 : i32
        %dma_start3A_274 = arith.constant 0 : i32
        %dma_start3A_275 = arith.constant 0 : i32
        %dma_start3A_276 = tpu.memref_slice %arg8[%dma_start3A_273, %dma_start3A_274, %dma_start3A_275] : memref<4x2x128xi32, #tpu.memory_space<vmem>> -> memref<1x1x128xi32, #tpu.memory_space<vmem>>
        %dma_start3A_277 = tpu.memref_squeeze %dma_start3A_276 : memref<1x1x128xi32, #tpu.memory_space<vmem>> -> memref<128xi32, #tpu.memory_space<vmem>>
        %dma_start3A_278 = arith.constant 0 : i32
        %dma_start3A_279 = arith.constant 0 : i32
        %dma_start3A_280 = tpu.memref_slice %arg2[%dma_start3A_278, %dma_start3A_279] : memref<20000x128xf32, #tpu.memory_space<hbm>> -> memref<20000x128xf32, #tpu.memory_space<hbm>>
        tpu.enqueue_indirect_dma source(%dma_start3A_280 : memref<20000x128xf32, #tpu.memory_space<hbm>>) target(%arg7 : memref<128x128xf32, #tpu.memory_space<vmem>>) offsets(%dma_start3A_277 : memref<128xi32, #tpu.memory_space<vmem>>) semaphore(%arg11 : memref<!tpu.dma_semaphore, #tpu.memory_space<semaphore_mem>>)
      } else {
      }
    }
    %scan3A_143 = arith.constant 20 : i32
    %barrier3A_144 = arith.constant 0 : index
    tpu.barrier barrier_id(%barrier3A_144)
    %mul3A_145 = arith.constant 640 : i32
    %mul3A_146 = arith.muli %arg1, %mul3A_145 : i32
    %mul3A_147 = arith.constant 640 : i32
    %mul3A_148 = arith.muli %arg1, %mul3A_147 : i32
    "tpu.region"() ({
      %run_scoped3A = tpu.sem_alloc : memref<!tpu.dma_semaphore, #tpu.memory_space<semaphore_mem>>
      %dma_start3A_149 = arith.constant 0 : i32
      %dma_start3A_150 = tpu.memref_slice %arg5[%arg0, %mul3A_148, %dma_start3A_149] : memref<2x10240x128xf32, #tpu.memory_space<hbm>> -> memref<1x640x128xf32, #tpu.memory_space<hbm>>
      %dma_start3A_151 = tpu.memref_squeeze %dma_start3A_150 : memref<1x640x128xf32, #tpu.memory_space<hbm>> -> memref<640x128xf32, #tpu.memory_space<hbm>>
      %dma_start3A_152 = arith.constant 0 : i32
      %dma_start3A_153 = tpu.memref_slice %arg9[%mul3A_146, %dma_start3A_152] : memref<10240x128xf32, #tpu.memory_space<vmem_shared>> -> memref<640x128xf32, #tpu.memory_space<vmem_shared>>
      tpu.enqueue_dma source(%dma_start3A_153 : memref<640x128xf32, #tpu.memory_space<vmem_shared>>) target(%dma_start3A_151 : memref<640x128xf32, #tpu.memory_space<hbm>>) target_semaphore(%run_scoped3A : memref<!tpu.dma_semaphore, #tpu.memory_space<semaphore_mem>>)
      %dma_wait3A_154 = arith.constant 0 : i32
      %dma_wait3A_155 = tpu.memref_slice %arg5[%arg0, %mul3A_148, %dma_wait3A_154] : memref<2x10240x128xf32, #tpu.memory_space<hbm>> -> memref<1x640x128xf32, #tpu.memory_space<hbm>>
      %dma_wait3A_156 = tpu.memref_squeeze %dma_wait3A_155 : memref<1x640x128xf32, #tpu.memory_space<hbm>> -> memref<640x128xf32, #tpu.memory_space<hbm>>
      %dma_wait3A_157 = arith.constant 0 : i32
      %dma_wait3A_158 = tpu.memref_slice %arg9[%mul3A_146, %dma_wait3A_157] : memref<10240x128xf32, #tpu.memory_space<vmem_shared>> -> memref<640x128xf32, #tpu.memory_space<vmem_shared>>
      tpu.wait_dma2 semaphore(%run_scoped3A : memref<!tpu.dma_semaphore, #tpu.memory_space<semaphore_mem>>) src(%dma_wait3A_158 : memref<640x128xf32, #tpu.memory_space<vmem_shared>>) dst(%dma_wait3A_156 : memref<640x128xf32, #tpu.memory_space<hbm>>)
      tpu.yield
    }) : () -> ()
    return
  }
}

</mosaic_0001>

<sc_bundles>
// kernel: kernel.3.cloned.1.call-start
scs
__scs_entry_jumppad:
0x0: {  	(pc) =	sbr.rel $0x88, $3  }
0x1: {  	(tag) =	ssettag $0x0;
	lr =	simm.s32 $0x1  }
0x2: {  	[smem:$0x3F9F] =	sst lr;
	_ =	strace $0xD0000000  }
0x3: {  	_ = 	snop  }
0x4: {  	_ = 	snop  }
0x5: {  	_ = 	snop  }
0x6: {  	_ = 	snop  }
0x7: {  	_ = 	snop  }
__scs_overlays_trampoline_lowered:
0x8: {  	[smem:$0x3FAE] =	sst s0  }
0x9: {  	[smem:$0x3FAF] =	sst s1  }
0xa: {  	[smem:$0x3FB0] =	sst s2  }
0xb: {  	[smem:$0x3FB1] =	sst s3  }
0xc: {  	[smem:$0x3FB2] =	sst s4  }
0xd: {  	[smem:$0x3FB3] =	sst s5  }
0xe: {  	[smem:$0x3FB4] =	sst s6  }
0xf: {  	[smem:$0x3FB5] =	sst s7  }
0x10: {  	[smem:$0x3FB6] =	sst s8  }
0x11: {  	[smem:$0x3FB7] =	sst s9;
	s0 =	simm.s32 @!p0 $0x0  }
0x12: {  	s1 =	sld [smem:$0x3F9D];
	s0 =	simm.s32 @p0 $0x1  }
0x13: {  	[smem:$0x3FB8] =	sst s0;
	s0 =	simm.s32 @!p1 $0x0  }
0x14: {  	s2 =	sld [smem:$0x3F9C];
	s0 =	simm.s32 @p1 $0x1  }
0x15: {  	[smem:$0x3FB9] =	sst s0;
	s0 =	simm.s32 @!p2 $0x0  }
0x16: {  	s3 =	sld [smem:$0x3FDB];
	s0 =	simm.s32 @p2 $0x1  }
0x17: {  	s4 =	simm.s32 $0x1BF5;
	[smem:$0x3FBB] =	sst s0  }
0x18: {  	s0 =	sld [smem:$0x3F9E];
	_ =	swait.ge [sflag:s4], $0x0  }
0x19: {  	s7 =	sld [smem:$0x3F9F]  }
0x1a: {  	s8 =	sadd.s32 $0xFFFFE003, lr  }
0x1b: {  	s9 =	sadd.s32 $0xFFFFFEF7, lr;
	s5 =	simm.s32 $0xFFFFFFFF;
	p2 =	slt.u32 s8, $0xFFFFF086  }
0x1c: {  	p1 =	slt.u32 s9, $0xF7A;
	s5 =	simm.s32 @!p2 $0x0  }
0x1d: {  	s5 =	simm.s32 @p1 $0x1;
	p0 =	seq.s32 s7, s2  }
0x1e: {  	s7 =	smul.u32 @!p0 $0xF7A, s2;
	p2 =	seq.s32 @!p0 s5, $0x0  }
0x1f: {  	s9 =	smul.u32 $0xF7A, s1;
	s8 =	simm.s32 @!p0 $0x1BF5;
	p2 =	por !p2, p0  }
0x20: {  	[sflag:s8] =	ssyncset.s32 @!p0 $0xFFFFF086;
	s6 =	sadd.s32 @!p0 s3, s7;
	s7 =	simm.s32 @!p0 $0x108  }
0x21: {  	s3 =	sadd.s32 s3, s9;
	s6 =	sadd.s32 @!p0 $0x88, s6;
	s7 =	simm.s32 @p2 $0x1082  }
0x22: {  	[simem:s7], [sflag:s8] =	dma.local @!p0 [hbm:s6], $0xF7A  }
0x23: {  	s9 =	sor.u32 $0xD0000000, s2;
	s6 =	simm.s32 $0x108;
	_ =	swait.ge @!p0 [sflag:s8], $0x0  }
0x24: {  	s3 =	sadd.s32 $0x88, s3;
	s6 =	simm.s32 @!p1 $0x1082;
	[sflag:s4] =	ssyncset.s32 $0xFFFFF086  }
0x25: {  	[simem:s6], [sflag:s4] =	dma.local [hbm:s3], $0xF7A  }
0x26: {  	[smem:$0x3F9F] =	sst s1;
	(tag) =	ssettag s2;
	_ =	strace s9  }
0x27: {  	s1 =	sld [smem:$0x3FAF]  }
0x28: {  	s2 =	sld [smem:$0x3FB0]  }
0x29: {  	s4 =	sld [smem:$0x3FB2]  }
0x2a: {  	p0 =	seq.s32 s5, $0x0;
	s5 =	sld [smem:$0x3FB3]  }
0x2b: {  	s6 =	sld [smem:$0x3FB4]  }
0x2c: {  	s7 =	sld [smem:$0x3FB5]  }
0x2d: {  	s3 =	simm.s32 $0x108;
	s8 =	sld [smem:$0x3FB6]  }
0x2e: {  	s3 =	simm.s32 @!p0 $0x1082;
	s9 =	sld [smem:$0x3FB7]  }
0x2f: {  	lr =	sadd.s32 s0, s3;
	s0 =	sld [smem:$0x3FAE]  }
0x30: {  	s3 =	sld [smem:$0x3FB1]  }
0x31: {  	[smem:$0x3FBA] =	sst s10  }
0x32: {  	s10 =	sld [smem:$0x3FB8];
	_ =	sdelay $0x3  }
0x33: {  	p0 =	seq.s32 s10, $0x1;
	s10 =	sld [smem:$0x3FBA];
	_ =	sdelay $0x3  }
0x34: {  	[smem:$0x3FBA] =	sst s10  }
0x35: {  	s10 =	sld [smem:$0x3FB9];
	_ =	sdelay $0x3  }
0x36: {  	p1 =	seq.s32 s10, $0x1;
	s10 =	sld [smem:$0x3FBA];
	_ =	sdelay $0x3  }
0x37: {  	[smem:$0x3FBA] =	sst s10  }
0x38: {  	s10 =	sld [smem:$0x3FBB]  }
0x39: {  	_ = 	snop;
	(pc) =	sbr.ind lr, $3  }
0x3a: {  	_ = 	snop  }
0x3b: {  	_ = 	snop  }
0x3c: {  	p2 =	seq.s32 s10, $0x1;
	s10 =	sld [smem:$0x3FBA]  }
0x3d: {  	_ =	shalt  }
0x3e: {  	_ =	shalt  }
0x3f: {  	_ =	shalt  }
0x40: {  	_ =	shalt  }
0x41: {  	_ =	shalt  }
0x42: {  	_ =	shalt  }
0x43: {  	_ =	shalt  }
0x44: {  	_ =	shalt  }
0x45: {  	_ =	shalt  }
0x46: {  	_ =	shalt  }
0x47: {  	_ =	shalt  }
0x48: {  	_ =	shalt  }
0x49: {  	_ =	shalt  }
0x4a: {  	_ =	shalt  }
0x4b: {  	_ =	shalt  }
0x4c: {  	_ =	shalt  }
0x4d: {  	_ =	shalt  }
0x4e: {  	_ =	shalt  }
0x4f: {  	_ =	shalt  }
0x50: {  	_ =	shalt  }
0x51: {  	_ =	shalt  }
0x52: {  	_ =	shalt  }
0x53: {  	_ =	shalt  }
0x54: {  	_ =	shalt  }
0x55: {  	_ =	shalt  }
0x56: {  	_ =	shalt  }
0x57: {  	_ =	shalt  }
0x58: {  	_ =	shalt  }
0x59: {  	_ =	shalt  }
0x5a: {  	_ =	shalt  }
0x5b: {  	_ =	shalt  }
0x5c: {  	_ =	shalt  }
0x5d: {  	_ =	shalt  }
0x5e: {  	_ =	shalt  }
0x5f: {  	_ =	shalt  }
0x60: {  	_ =	shalt  }
0x61: {  	_ =	shalt  }
0x62: {  	_ =	shalt  }
0x63: {  	_ =	shalt  }
0x64: {  	_ =	shalt  }
0x65: {  	_ =	shalt  }
0x66: {  	_ =	shalt  }
0x67: {  	_ =	shalt  }
0x68: {  	_ =	shalt  }
0x69: {  	_ =	shalt  }
0x6a: {  	_ =	shalt  }
0x6b: {  	_ =	shalt  }
0x6c: {  	_ =	shalt  }
0x6d: {  	_ =	shalt  }
0x6e: {  	_ =	shalt  }
0x6f: {  	_ =	shalt  }
0x70: {  	_ =	shalt  }
0x71: {  	_ =	shalt  }
0x72: {  	_ =	shalt  }
0x73: {  	_ =	shalt  }
0x74: {  	_ =	shalt  }
0x75: {  	_ =	shalt  }
0x76: {  	_ =	shalt  }
0x77: {  	_ =	shalt  }
0x78: {  	_ =	shalt  }
0x79: {  	_ =	shalt  }
0x7a: {  	_ =	shalt  }
0x7b: {  	_ =	shalt  }
0x7c: {  	_ =	shalt  }
0x7d: {  	_ =	shalt  }
0x7e: {  	_ =	shalt  }
0x7f: {  	_ =	shalt  }
0x80: {  	_ =	shalt  }
0x81: {  	_ =	shalt  }
0x82: {  	_ =	shalt  }
0x83: {  	_ =	shalt  }
0x84: {  	_ =	shalt  }
0x85: {  	_ =	shalt  }
0x86: {  	_ =	shalt  }
0x87: {  	_ =	shalt  }
.Lfunc_end0:
.L_simem_size_0:
called_computation_lowered:
.L_overlay_start_0:
0x88: {  	s2 =	sld [smem:$0x3FD9]  }
0x89: {  	s3 =	sld [smem:$0x3FFE];
	_ =	sdelay $0x1  }
0x8a: {  	s1 =	srdreg.scid  }
0x8b: {  	s0 =	sand.u32 $0x1, s1  }
0x8c: {  	s17 =	sshll.u32 s0, $0xA;
	s2 =	sadd.s32 s3, s2  }
0x8d: {  	s2 =	sadd.s32 s2, s17  }
0x8e: {  	[smem:$0x3FC6] =	sst s2  }
0x8f: {  	_ = 	snop  }
0x90: {  	s2 =	sld [smem:$0x3FD0];
	(tm) =	ssettm $0x1  }
0x91: {  	s18 =	sld [smem:$0x3FFB];
	_ =	sdelay $0x3  }
0x92: {  	_ =	strace s18  }
0x93: {  	s3 =	sld [smem:$0x3FFC];
	_ =	sdelay $0x3  }
0x94: {  	_ =	strace s3  }
0x95: {  	s3 =	sld [smem:$0x3FFD];
	_ =	sdelay $0x3  }
0x96: {  	_ =	strace s3  }
0x97: {  	_ =	strace $0x8FFFFFFF  }
0x98: {  	s19 =	sld [smem:$0x3FDB];
	_ =	sdelay $0x1  }
0x99: {  	s4 =	simm.s32 $_scs_section_size  }
0x9a: {  	s5 =	simm.s32 $_size__tile_overlayer_lowered;
	s6 =	simm.s32 $_tile_overlayer_lowered  }
0x9b: {  	s22 =	simm.s32 $0x1BFF;
	s21 =	sshll.u32 s6, $0x1;
	s3 =	sadd.s32 s4, s19  }
0x9c: {  	s7 =	simm.s32 $0x0;
	s20 =	sshll.u32 s5, $0x1;
	s5 =	sadd.s32 s21, s3  }
0x9d: {  	[timem:s7], [sflag:s22] =	dma.local [hbm:s5], s20  }
0x9e: {  	_ =	swait.ge [sflag:s22], s20  }
0x9f: {  	s4 =	ssub.s32 $0x0, s20;
	[sflag:s22] =	ssyncset.done $0x0  }
0xa0: {  	[sflag:s22] =	ssyncadd.s32 s4;
	_ =	sdelay $0x1  }
0xa1: {  	s23 =	simm.s32 $0x1B8B  }
0xa2: {  	_ =	swait.ge [sflag:s23], $0x1  }
0xa3: {  	[sflag:s23] =	ssyncset.done $0x0  }
0xa4: {  	s25 =	simm.s32 $0x1B8E;
	s24 =	sld [smem:$0x3FFE];
	[sflag:s23] =	ssyncadd.s32 $0xFFFFFFFF  }
0xa5: {  	s26 =	simm.s32 $execute0_lowered;
	[smem:$0x3FD2] =	sst s25  }
0xa6: {  	s5 =	sshll.u32 s26, $0x1;
	_ =	strace $0x80000046;
	[dreg:$0x1] =	wrdreg $0xFFFFFFFF  }
0xa7: {  	s28 =	simm.s32 $_size_execute0_lowered;
	s3 =	sadd.s32 s3, s5;
	[dreg:$0x0] =	wrdreg $0x0  }
0xa8: {  	s5 =	sshll.u32 s28, $0x1;
	[dreg:$0x2] =	wrdreg s3  }
0xa9: {  	[dreg:$0x3] =	wrdreg s5  }
0xaa: {  	[dreg:$0x4] =	wrdreg $0xC0  }
0xab: {  	_ =	task [dreg:s7], $0x5FFFF  }
0xac: {  	[dreg:$0x1] =	wrdreg $0xFFFFFFFF  }
0xad: {  	[dreg:$0x0] =	wrdreg $0x60  }
0xae: {  	[dreg:$0x2] =	wrdreg s2  }
0xaf: {  	[dreg:$0x3] =	wrdreg s24  }
0xb0: {  	[dreg:$0x4] =	wrdreg $0x84000  }
0xb1: {  	[dreg:$0x5] =	wrdreg $0x9  }
0xb2: {  	_ =	task.clear_ibuf [dreg:s7], $0x6FFFF;
	_ =	strace $0x90000046  }
0xb3: {  	s29 =	simm.s32 $0x9;
	_ =	strace $0x80000048  }
0xb4: {  	_ =	swait.ge [sflag:s29], $0x1  }
0xb5: {  	[sflag:s29] =	ssyncadd.s32 $0xFFFFFFFF  }
0xb6: {  	_ =	strace $0x90000048  }
0xb7: {  	_ =	sfence  }
0xb8: {  	s30 =	sld [smem:$0x0];
	_ =	sdelay $0x2  }
0xb9: {  	s31 =	sshll.u32 s1, $0xD;
	s1 =	sshrl.u32 s1, $0x2  }
0xba: {  	s3 =	sand.u32 $0x4000, s31;
	s1 =	sadd.s32 s1, s30  }
0xbb: {  	s0 =	sor.u32 s3, s0;
	s1 =	sshll.u32 s1, $0x11  }
0xbc: {  	s0 =	sor.u32 s1, s0  }
0xbd: {  	s0 =	sadd.s32 $0x8F2B, s0  }
0xbe: {  	[sflag:s0] =	ssyncadd.remote.s32 $0x1  }
0xbf: {  	_ =	sfence.sel $0xFFFF  }
0xc0: {  	[dreg:$0x0] =	wrdreg $0xFFFFFFFF;
	(pc) =	sbr.abs _section_cstart, $3  }
0xc1: {  	[dreg:$0x1] =	wrdreg $0xFFFFFFFF  }
0xc2: {  	_ =	task.clear_ibuf [dreg:s7], $0x2FFFF;
	_ =	strace $0x9FFFFFFF  }
0xc3: {  	(tm) =	ssettm $0x7FFFFFFF  }
tec
execute0_lowered:
.L_overlay_start_1:
0x0: {  	(tag) =	ssettag $0x1  }
0x1: {  	s1 =	rddreg [dreg:$0x0]  }
0x2: {  	s0 =	rddreg [dreg:$0x1]  }
0x3: {  	s2 =	rddreg [dreg:$0x2]  }
0x4: {  	s3 =	srdreg.scid;
	s10 =	stileid.u32  }
0x5: {  	s4 =	simm.s32 $0x0;
	s28 =	simm.s32 $0x80;
	s6 =	smul.u32 $0x14000, s10  }
0x6: {  	s29 =	simm.s32 $0x4;
	s30 =	simm.s32 $0x4000;
	s7 =	smul.u32 $0x50000, s10  }
0x7: {  	s31 =	simm.s32 $0x1;
	s3 =	sand.u32 $0x1, s3;
	s10 =	smul.u32 $0x5000, s10  }
0x8: {  	[smem:$0x7FF] =	sst s4;
	s8 =	sadd.s32 $0x200, s0;
	s5 =	smul.u32 $0x140000, s3  }
0x9: {  	s11 =	sadd.s32 $0x14200, s0;
	_ =	strace $0x80000047;
	s9 =	smul.u32 $0x50000, s3  }
0xa: {  	[dreg:$0x4] =	wrdreg s11;
	s3 =	ssub.s32 $0x2, s3;
	s11 =	simm.s32 $0x8380  }
0xb: {  	s12 =	sshrl.u32 s7, $0x2;
	s13 =	sshrl.u32 s3, $0x1;
	s5 =	sadd.s32 s6, s5  }
0xc: {  	s6 =	sadd.s32 s12, s2;
	s14 =	sadd.s32 s10, s9;
	s3 =	ssub.s32 s3, s13  }
0xd: {  	s9 =	simm.s32 $0x8280;
	s12 =	simm.s32 $0x0;
	s5 =	sshrl.u32 s5, $0x3  }
0xe: {  	s15 =	sadd.s32 $0x4000, s6;
	s16 =	sshrl.u32 s14, $0x3;
	s17 =	sadd.s32 $0x8000, s6  }
0xf: {  	s18 =	sadd.s32 $0xC000, s6;
	s19 =	sadd.s32 $0x10000, s6;
	[dreg:$0x5] =	wrdreg s15  }
0x10: {  	s21 =	sor.u32 $0x700, s14;
	s24 =	smax.u32 s3, $0x1;
	[dreg:$0x6] =	wrdreg s17  }
0x11: {  	s25 =	sor.u32 $0x600, s14;
	s26 =	sor.u32 $0x500, s14;
	[dreg:$0x7] =	wrdreg s18  }
0x12: {  	s0 =	sadd.s32 s5, s0;
	s10 =	sadd.s32 s8, s16;
	[dreg:$0x8] =	wrdreg s19  }
0x13: {  	s7 =	sshrl.u32 s21, $0x3;
	[dreg:$0xd] =	wrdreg s24;
	s5 =	sor.u32 $0x400, s14  }
0x14: {  	s3 =	sshrl.u32 s26, $0x3;
	s21 =	simm.s32 $0x7;
	s24 =	simm.s32 $0x8200  }
0x15: {  	s26 =	simm.s32 $0x3;
	s20 =	sadd.s32 $0x20, s10;
	s22 =	sadd.s32 $0x40, s10  }
0x16: {  	s23 =	sadd.s32 $0x60, s10;
	s0 =	sadd.s32 $0x14A00, s0;
	[dreg:$0x9] =	wrdreg s20  }
0x17: {  	s17 =	sadd.s32 s7, s8;
	s5 =	sshrl.u32 s5, $0x3;
	[dreg:$0xa] =	wrdreg s22  }
.Ltmp0:
0x18: {  	s19 =	sadd.s32 s3, s8;
	[dreg:$0xb] =	wrdreg s23;
	(pc) =	sbr.rel .LBB2_1-.Ltmp0, $4  }
0x19: {  	s3 =	simm.s32 $0x5;
	s7 =	simm.s32 $0x8180;
	[dreg:$0xc] =	wrdreg s0  }
0x1a: {  	s0 =	sshrl.u32 s25, $0x3;
	s20 =	sadd.s32 s5, s8;
	s22 =	simm.s32 $0x8000  }
0x1b: {  	s23 =	simm.s32 $0x8100;
	s25 =	simm.s32 $0x8300;
	s5 =	simm.s32 $0x2  }
0x1c: {  	s18 =	sadd.s32 s0, s8;
	s0 =	simm.s32 $0x8080;
	s8 =	simm.s32 $0x6  }
.LBB2_4:
0x1d: {  	_ =	swait.ge [sflag:s5], $0x4000  }
0x1e: {  	[sflag:s5] =	ssyncset.done $0x0  }
0x1f: {  	[sflag:s5] =	ssyncadd.s32 $0xFFFFC000  }
0x20: {  	[spmem:s2] =	stream.indirect.scatter.add.f32 [tilespmem:s30], [sflag:$0x7], $0x80, s11, s28, $0xb8;
	[tilespmem:$0x1C400] =	vst v63  }
0x21: {  	_ =	swait.ge [sflag:s21], $0x4000  }
0x22: {  	[sflag:s21] =	ssyncset.done $0x0  }
0x23: {  	s13 =	stileid.u32;
	[sflag:s21] =	ssyncadd.s32 $0xFFFFC000  }
0x24: {  	s13 =	sshll.u32 s13, $0x6;
	[bflag:$0x0] =	sbarrier.arrive $0xFFFF  }
0x25: {  	s14 =	sshrl.u32 s6, $0x3;
	s13 =	sor.u32 $0x1C07, s13;
	s15 =	rddreg [dreg:$0xc]  }
0x26: {  	[hbm:s15], [sflag:s13] =	dma.local [spmem:s14], $0x2800  }
0x27: {  	_ =	swait.ge [sflag:s21], $0x2800  }
0x28: {  	s12 =	sadd.s32 $0x1, s12;
	s16 =	rddreg [dreg:$0xd]  }
0x29: {  	p0 =	sne.s32 s12, s16  }
.Ltmp1:
0x2a: {  	_ = 	snop;
	(pc) =	sbr.rel @!p0 .LBB2_5-.Ltmp1, $3  }
0x2b: {  	_ =	sdelay $0x1  }
0x2c: {  	[sflag:s21] =	ssyncset.done $0x0  }
0x2d: {  	[sflag:s21] =	ssyncadd.s32 $0xFFFFD800  }
.LBB2_1:
0x2e: {  	s13 =	rddreg [dreg:$0x4]  }
0x2f: {  	[tilespmem:s4], [sflag:$0x7] =	stream.linear.gather [hbm4b:s13+s4], $0x4000, $0x38;
	[tilespmem:$0x1C400] =	vst v63  }
0x30: {  	_ =	swait.ge [sflag:s21], $0x4000  }
0x31: {  	[sflag:s21] =	ssyncset.done $0x0  }
0x32: {  	[sflag:s21] =	ssyncadd.s32 $0xFFFFC000  }
0x33: {  	[spmem:s6] =	stream.linear.scatter [tilespmem:s4], [sflag:$0x7], $0x4000, $0x38;
	[tilespmem:$0x1C400] =	vst v63  }
0x34: {  	_ =	swait.ge [sflag:s21], $0x4000  }
0x35: {  	[sflag:s21] =	ssyncset.done $0x0  }
0x36: {  	s16 =	rddreg [dreg:$0x5];
	[sflag:s21] =	ssyncadd.s32 $0xFFFFC000  }
0x37: {  	[spmem:s16] =	stream.linear.scatter [tilespmem:s4], [sflag:$0x7], $0x4000, $0x38;
	[tilespmem:$0x1C400] =	vst v63  }
0x38: {  	_ =	swait.ge [sflag:s21], $0x4000  }
0x39: {  	[sflag:s21] =	ssyncset.done $0x0  }
0x3a: {  	s14 =	rddreg [dreg:$0x6];
	[sflag:s21] =	ssyncadd.s32 $0xFFFFC000  }
0x3b: {  	[spmem:s14] =	stream.linear.scatter [tilespmem:s4], [sflag:$0x7], $0x4000, $0x38;
	[tilespmem:$0x1C400] =	vst v63  }
0x3c: {  	_ =	swait.ge [sflag:s21], $0x4000  }
0x3d: {  	[sflag:s21] =	ssyncset.done $0x0  }
0x3e: {  	s15 =	rddreg [dreg:$0x7];
	[sflag:s21] =	ssyncadd.s32 $0xFFFFC000  }
0x3f: {  	[spmem:s15] =	stream.linear.scatter [tilespmem:s4], [sflag:$0x7], $0x4000, $0x38;
	[tilespmem:$0x1C400] =	vst v63  }
0x40: {  	_ =	swait.ge [sflag:s21], $0x4000  }
0x41: {  	[sflag:s21] =	ssyncset.done $0x0  }
0x42: {  	s16 =	rddreg [dreg:$0x8];
	[sflag:s21] =	ssyncadd.s32 $0xFFFFC000  }
0x43: {  	[spmem:s16] =	stream.linear.scatter [tilespmem:s4], [sflag:$0x7], $0x4000, $0x38;
	[tilespmem:$0x1C400] =	vst v63  }
0x44: {  	_ =	swait.ge [sflag:s21], $0x4000  }
0x45: {  	[sflag:s21] =	ssyncset.done $0x0  }
0x46: {  	[sflag:s21] =	ssyncadd.s32 $0xFFFFC000  }
0x47: {  	[bflag:$0x0] =	sbarrier.arrive $0xFFFF  }
0x48: {  	[tilespmem:s22], [sflag:$0x3] =	stream.linear.gather [hbm4b:s10+s4], $0x100, $0x38;
	[tilespmem:$0x1C400] =	vst v63  }
0x49: {  	s14 =	rddreg [dreg:$0x9]  }
0x4a: {  	[tilespmem:s23], [sflag:$0x4] =	stream.linear.gather [hbm4b:s14+s4], $0x100, $0x38;
	[tilespmem:$0x1C400] =	vst v63  }
0x4b: {  	s15 =	rddreg [dreg:$0xa]  }
0x4c: {  	[tilespmem:s24], [sflag:$0x5] =	stream.linear.gather [hbm4b:s15+s4], $0x100, $0x38;
	[tilespmem:$0x1C400] =	vst v63  }
0x4d: {  	s16 =	rddreg [dreg:$0xb]  }
0x4e: {  	[tilespmem:s25], [sflag:$0x6] =	stream.linear.gather [hbm4b:s16+s4], $0x100, $0x38;
	[tilespmem:$0x1C400] =	vst v63  }
0x4f: {  	_ =	swait.ge [sflag:s26], $0x100  }
0x50: {  	[sflag:s26] =	ssyncset.done $0x0  }
0x51: {  	[sflag:s26] =	ssyncadd.s32 $0xFFFFFF00  }
0x52: {  	[tilespmem:s4], [sflag:$0x1] =	stream.indirect.gather [hbm4b:s1+s28], $0x80, s22, s28, $0xb8;
	[tilespmem:$0x1C400] =	vst v63  }
0x53: {  	_ =	swait.ge [sflag:s29], $0x100  }
0x54: {  	[sflag:s29] =	ssyncset.done $0x0  }
0x55: {  	s13 =	simm.s32 $0x0;
	[sflag:s29] =	ssyncadd.s32 $0xFFFFFF00  }
0x56: {  	[tilespmem:s30], [sflag:$0x2] =	stream.indirect.gather [hbm4b:s1+s28], $0x80, s23, s28, $0xb8;
	[tilespmem:$0x1C400] =	vst v63  }
.LBB2_2:
0x57: {  	_ =	swait.ge [sflag:s31], $0x4000  }
0x58: {  	[sflag:s31] =	ssyncset.done $0x0  }
0x59: {  	[sflag:s31] =	ssyncadd.s32 $0xFFFFC000  }
0x5a: {  	[spmem:s2] =	stream.indirect.scatter.add.f32 [tilespmem:s4], [sflag:$0x7], $0x80, s0, s28, $0xb8;
	[tilespmem:$0x1C400] =	vst v63  }
0x5b: {  	p0 =	seq.s32 s13, $0x980;
	_ =	swait.ge [sflag:s21], $0x4000  }
0x5c: {  	s14 =	sadd.s32 @!p0 s13, s20;
	[sflag:s21] =	ssyncset.done $0x0  }
0x5d: {  	s15 =	simm.s32 @!p0 $0x0;
	s16 =	simm.s32 @!p0 $0x8000;
	[sflag:s21] =	ssyncadd.s32 $0xFFFFC000  }
0x5e: {  	[tilespmem:s16], [sflag:$0x3] =	stream.linear.gather @!p0 [hbm4b:s14+s15], $0x100, $0x38;
	[tilespmem:$0x1C400] =	vst v63  }
0x5f: {  	_ =	swait.ge [sflag:s3], $0x100  }
0x60: {  	[sflag:s3] =	ssyncset.done $0x0  }
0x61: {  	[sflag:s3] =	ssyncadd.s32 $0xFFFFFF00  }
0x62: {  	[tilespmem:s4], [sflag:$0x1] =	stream.indirect.gather [hbm4b:s1+s28], $0x80, s24, s28, $0xb8;
	[tilespmem:$0x1C400] =	vst v63  }
0x63: {  	_ =	swait.ge [sflag:s5], $0x4000  }
0x64: {  	[sflag:s5] =	ssyncset.done $0x0  }
0x65: {  	[sflag:s5] =	ssyncadd.s32 $0xFFFFC000  }
0x66: {  	[spmem:s2] =	stream.indirect.scatter.add.f32 [tilespmem:s30], [sflag:$0x7], $0x80, s7, s28, $0xb8;
	[tilespmem:$0x1C400] =	vst v63  }
0x67: {  	_ =	swait.ge [sflag:s21], $0x4000  }
0x68: {  	[sflag:s21] =	ssyncset.done $0x0  }
0x69: {  	s14 =	sadd.s32 @!p0 s13, s19;
	s16 =	simm.s32 @!p0 $0x8100;
	[sflag:s21] =	ssyncadd.s32 $0xFFFFC000  }
0x6a: {  	[tilespmem:s16], [sflag:$0x4] =	stream.linear.gather @!p0 [hbm4b:s14+s15], $0x100, $0x38;
	[tilespmem:$0x1C400] =	vst v63  }
0x6b: {  	_ =	swait.ge [sflag:s8], $0x100  }
0x6c: {  	[sflag:s8] =	ssyncset.done $0x0  }
0x6d: {  	[sflag:s8] =	ssyncadd.s32 $0xFFFFFF00  }
0x6e: {  	[tilespmem:s30], [sflag:$0x2] =	stream.indirect.gather [hbm4b:s1+s28], $0x80, s25, s28, $0xb8;
	[tilespmem:$0x1C400] =	vst v63  }
0x6f: {  	_ =	swait.ge [sflag:s31], $0x4000  }
0x70: {  	[sflag:s31] =	ssyncset.done $0x0  }
.Ltmp2:
0x71: {  	[sflag:s31] =	ssyncadd.s32 $0xFFFFC000;
	(pc) =	sbr.rel @p0 .LBB2_4-.Ltmp2, $4  }
0x72: {  	[spmem:s2] =	stream.indirect.scatter.add.f32 [tilespmem:s4], [sflag:$0x7], $0x80, s9, s28, $0xb8;
	[tilespmem:$0x1C400] =	vst v63  }
0x73: {  	_ =	swait.ge [sflag:s21], $0x4000  }
0x74: {  	[sflag:s21] =	ssyncset.done $0x0  }
0x75: {  	[sflag:s21] =	ssyncadd.s32 $0xFFFFC000  }
0x76: {  	s14 =	sadd.s32 s13, s18  }
0x77: {  	[tilespmem:s24], [sflag:$0x5] =	stream.linear.gather [hbm4b:s14+s4], $0x100, $0x38;
	[tilespmem:$0x1C400] =	vst v63  }
0x78: {  	_ =	swait.ge [sflag:s26], $0x100  }
0x79: {  	[sflag:s26] =	ssyncset.done $0x0  }
0x7a: {  	[sflag:s26] =	ssyncadd.s32 $0xFFFFFF00  }
0x7b: {  	[tilespmem:s4], [sflag:$0x1] =	stream.indirect.gather [hbm4b:s1+s28], $0x80, s22, s28, $0xb8;
	[tilespmem:$0x1C400] =	vst v63  }
0x7c: {  	_ =	swait.ge [sflag:s5], $0x4000  }
0x7d: {  	[sflag:s5] =	ssyncset.done $0x0  }
0x7e: {  	[sflag:s5] =	ssyncadd.s32 $0xFFFFC000  }
0x7f: {  	[spmem:s2] =	stream.indirect.scatter.add.f32 [tilespmem:s30], [sflag:$0x7], $0x80, s11, s28, $0xb8;
	[tilespmem:$0x1C400] =	vst v63  }
0x80: {  	_ =	swait.ge [sflag:s21], $0x4000  }
0x81: {  	[sflag:s21] =	ssyncset.done $0x0  }
0x82: {  	s16 =	sadd.s32 s13, s17;
	[sflag:s21] =	ssyncadd.s32 $0xFFFFC000  }
0x83: {  	[tilespmem:s25], [sflag:$0x6] =	stream.linear.gather [hbm4b:s16+s4], $0x100, $0x38;
	[tilespmem:$0x1C400] =	vst v63  }
.Ltmp3:
0x84: {  	_ = 	snop;
	(pc) =	sbr.rel .LBB2_2-.Ltmp3, $4  }
0x85: {  	_ =	swait.ge [sflag:s29], $0x100  }
0x86: {  	[sflag:s29] =	ssyncset.done $0x0  }
0x87: {  	s13 =	sadd.s32 $0x80, s13;
	[sflag:s29] =	ssyncadd.s32 $0xFFFFFF00  }
0x88: {  	[tilespmem:s30], [sflag:$0x2] =	stream.indirect.gather [hbm4b:s1+s28], $0x80, s23, s28, $0xb8;
	[tilespmem:$0x1C400] =	vst v63  }
.LBB2_5:
0x89: {  	_ =	sfence.sel $0x180000  }
0x8a: {  	[bflag:$0x0] =	sbarrier.arrive $0xFFFF  }
0x8b: {  	_ =	strace $0x90000047  }
0x8c: {  	s0 =	stileid.u32;
	[bflag:$0x2] =	sbarrier.arrive $0xFFFF  }
0x8d: {  	p0 =	sne.s32 s0, $0x0;
	s0 =	rddreg [dreg:$0x3]  }
0x8e: {  	s0 =	sadd.s32 @!p0 $0x100000, s0  }
0x8f: {  	[sflag:s0] =	ssyncadd.tile.s32 @!p0 $0x1;
	_ =	shalt  }
.Lfunc_end2:
_tile_overlayer_lowered:
.L_overlay_start_2:
0x90: {  	(tag) =	ssettag $0x2  }
0x91: {  	s0 =	rddreg [dreg:$0x0];
	s2 =	stileid.u32  }
0x92: {  	s1 =	rddreg [dreg:$0x1];
	p0 =	sne.s32 s2, $0x0  }
0x93: {  	s3 =	rddreg [dreg:$0x2];
	[bflag:$0x3] =	sbarrier.arrive $0xFFFF;
	s2 =	simm.s32 @!p0 $0x1C07  }
0x94: {  	[timem:s3], [sflag:s2] =	dma.local @!p0 [hbm:s0], s1  }
0x95: {  	s0 =	simm.s32 @!p0 $0x7  }
0x96: {  	_ =	swait.ge @!p0 [sflag:s0], s1  }
0x97: {  	s1 =	ssub.s32 @!p0 $0x0, s1;
	[sflag:s0] =	ssyncset.done @!p0 $0x0  }
0x98: {  	[sflag:s0] =	ssyncadd.s32 @!p0 s1  }
0x99: {  	[bflag:$0x3] =	sbarrier.arrive $0xFFFF  }
0x9a: {  	_ =	shalt  }

</sc_bundles>
